<compile_context>
chip_gen: v7x
topology: tpu7x:2x2x1
jax: 0.10.2.dev20260603
libtpu: 0.0.44.dev20260713+nightly
codegen_flags: <defaults>
</compile_context>

<pallas_src>
import functools
import math

import jax
import jax.numpy as jnp
from jax import lax
from jax.experimental import pallas as pl
from jax.experimental.pallas import tpu as pltpu
from jax.experimental.pallas import tpu_sc as plsc

VOCAB = 1000000
EMB = 64
B = 1024
L = 200

NC = 2
NS = 16
NW = NC * NS
ROWS = B // NW
NCHUNK = ROWS
CHUNK = L
NBUF = 4
LOOKAHEAD = 2
NGROUP = NCHUNK // NBUF
SCALE = math.sqrt(EMB)


def _body(tok_hbm, table_hbm, out_hbm, idx_v, bufs, gsems, ssems):
    wid = lax.axis_index("s") * NC + lax.axis_index("c")
    row0 = wid * ROWS

    pltpu.sync_copy(tok_hbm.at[pl.ds(row0, ROWS)], idx_v)

    def src(j):
        return table_hbm.at[idx_v.at[j]]

    def dst(j):
        return out_hbm.at[row0 + j]

    def gather_start(j, b):
        pltpu.async_copy(src(j), bufs[b], gsems[b])

    def gather_wait(j, b):
        pltpu.make_async_copy(src(j), bufs[b], gsems[b]).wait()

    def store_start(j, b):
        pltpu.async_copy(bufs[b], dst(j), ssems[b])

    def store_wait(j, b):
        pltpu.make_async_copy(bufs[b], dst(j), ssems[b]).wait()

    def scale(b):
        buf = bufs[b]

        @pl.loop(0, CHUNK, unroll=4)
        def _(r):
            for c in range(EMB // 16):
                sl = (r, pl.ds(c * 16, 16))
                buf[sl] = buf[sl] * SCALE

    for j in range(LOOKAHEAD):
        gather_start(j, j)

    @pl.loop(0, NGROUP)
    def _(g):
        for b in range(NBUF):
            j = g * NBUF + b
            f = j + LOOKAHEAD
            fb = (b + LOOKAHEAD) % NBUF

            @pl.when(f < NCHUNK)
            def _():
                @pl.when(f >= NBUF)
                def _():
                    store_wait(f - NBUF, fb)

                gather_start(f, fb)

            gather_wait(j, b)
            scale(b)
            store_start(j, b)

    for j in range(NCHUNK - LOOKAHEAD, NCHUNK):
        store_wait(j, j % NBUF)


@functools.partial(jax.jit, static_argnames=())
def kernel(tokens, table):
    sc_gather = pl.kernel(
        _body,
        out_type=jax.ShapeDtypeStruct((B, L, EMB), jnp.float32),
        mesh=plsc.VectorSubcoreMesh(core_axis_name="c", subcore_axis_name="s"),
        scratch_types=dict(
            idx_v=pltpu.VMEM((ROWS, L), jnp.int32),
            bufs=[pltpu.VMEM((CHUNK, EMB), jnp.float32) for _ in range(NBUF)],
            gsems=[pltpu.SemaphoreType.DMA for _ in range(NBUF)],
            ssems=[pltpu.SemaphoreType.DMA for _ in range(NBUF)],
        ),
        compiler_params=pltpu.CompilerParams(use_tc_tiling_on_sc=False),
    )
    return sc_gather(tokens.astype(jnp.int32), table)

# --- scband reference (transcript-rebuilt; emitter-appended) ---
"""Pipeline reference for scband-token-embedding-66975720013870 (READ-ONLY COPY).

The authoritative reference and input builder live on the scoring server;
editing this copy changes nothing except your own understanding.
"""

import jax, jax.numpy as jnp
import numpy as np
import math

VOCAB = 1000000
EMB = 64
B = 1024
L = 200

def setup_inputs(seed: int = 0) -> dict:
    key = jax.random.key(seed)
    k1, k2 = jax.random.split(key)
    tokens = jax.random.randint(k1, (B, L), 0, VOCAB, dtype=jnp.int64 if jax.config.jax_enable_x64 else jnp.int32)
    table = jax.random.normal(k2, (VOCAB, EMB), dtype=jnp.float32)
    return {"tokens": tokens, "table": table}

def reference(tokens, table):
    # TokenEmbedding.forward: embedding(tokens) * sqrt(emb_size)
    emb = jnp.take(table, tokens, axis=0)
    return emb * math.sqrt(EMB)

if __name__ == "__main__":
    import jax
    _d = setup_inputs()
    print(jax.jit(kernel)(*tuple(_d.values())))

</pallas_src>

<mosaic_0001>
#map = affine_map<(d0, d1) -> (0, 0)>
#map1 = affine_map<(d0, d1) -> (0, 0, 0)>
module attributes {stable_mosaic.version = 14 : i64} {
  func.func @_body(%arg0: i32, %arg1: i32, %arg2: memref<1024x200xi32, #tpu.memory_space<hbm>>, %arg3: memref<1000000x64xf32, #tpu.memory_space<hbm>>, %arg4: memref<1024x200x64xf32, #tpu.memory_space<hbm>>, %arg5: memref<200x64xf32, #tpu.memory_space<vmem>>, %arg6: memref<200x64xf32, #tpu.memory_space<vmem>>, %arg7: memref<200x64xf32, #tpu.memory_space<vmem>>, %arg8: memref<200x64xf32, #tpu.memory_space<vmem>>, %arg9: memref<!tpu.dma_semaphore, #tpu.memory_space<semaphore_mem>>, %arg10: memref<!tpu.dma_semaphore, #tpu.memory_space<semaphore_mem>>, %arg11: memref<!tpu.dma_semaphore, #tpu.memory_space<semaphore_mem>>, %arg12: memref<!tpu.dma_semaphore, #tpu.memory_space<semaphore_mem>>, %arg13: memref<32x200xi32, #tpu.memory_space<vmem>>, %arg14: memref<!tpu.dma_semaphore, #tpu.memory_space<semaphore_mem>>, %arg15: memref<!tpu.dma_semaphore, #tpu.memory_space<semaphore_mem>>, %arg16: memref<!tpu.dma_semaphore, #tpu.memory_space<semaphore_mem>>, %arg17: memref<!tpu.dma_semaphore, #tpu.memory_space<semaphore_mem>>) attributes {dimension_semantics = [#tpu.dimension_semantics<core_parallel>, #tpu.dimension_semantics<subcore_parallel>], iteration_bounds = array<i64: 2, 16>, scalar_prefetch = 0 : i64, scratch_operands = 13 : i64, tpu.core_type = #tpu.core_type<sc_vector_subcore>, window_params = [{transform_indices = #map}, {transform_indices = #map}, {transform_indices = #map1}]} {
    %mul3A = arith.constant 2 : i32
    %mul3A_0 = arith.muli %arg1, %mul3A : i32
    %add3A = arith.addi %mul3A_0, %arg0 : i32
    %mul3A_1 = arith.constant 32 : i32
    %mul3A_2 = arith.muli %add3A, %mul3A_1 : i32
    "tpu.region"() ({
      %run_scoped3A = tpu.sem_alloc : memref<!tpu.dma_semaphore, #tpu.memory_space<semaphore_mem>>
      %dma_start3A_39 = arith.constant 0 : i32
      %dma_start3A_40 = tpu.memref_slice %arg2[%mul3A_2, %dma_start3A_39] : memref<1024x200xi32, #tpu.memory_space<hbm>> -> memref<32x200xi32, #tpu.memory_space<hbm>>
      %dma_start3A_41 = arith.constant 0 : i32
      %dma_start3A_42 = tpu.memref_slice %arg2[%mul3A_2, %dma_start3A_41] : memref<1024x200xi32, #tpu.memory_space<hbm>> -> memref<32x200xi32, #tpu.memory_space<hbm>>
      tpu.enqueue_dma source(%dma_start3A_42 : memref<32x200xi32, #tpu.memory_space<hbm>>) target(%arg13 : memref<32x200xi32, #tpu.memory_space<vmem>>) target_semaphore(%run_scoped3A : memref<!tpu.dma_semaphore, #tpu.memory_space<semaphore_mem>>)
      %dma_wait3A_43 = arith.constant 0 : i32
      %dma_wait3A_44 = tpu.memref_slice %arg2[%mul3A_2, %dma_wait3A_43] : memref<1024x200xi32, #tpu.memory_space<hbm>> -> memref<32x200xi32, #tpu.memory_space<hbm>>
      %dma_wait3A_45 = arith.constant 0 : i32
      %dma_wait3A_46 = tpu.memref_slice %arg2[%mul3A_2, %dma_wait3A_45] : memref<1024x200xi32, #tpu.memory_space<hbm>> -> memref<32x200xi32, #tpu.memory_space<hbm>>
      tpu.wait_dma2 semaphore(%run_scoped3A : memref<!tpu.dma_semaphore, #tpu.memory_space<semaphore_mem>>) src(%dma_wait3A_46 : memref<32x200xi32, #tpu.memory_space<hbm>>) dst(%arg13 : memref<32x200xi32, #tpu.memory_space<vmem>>)
      tpu.yield
    }) : () -> ()
    %dma_start3A = arith.constant 0 : i32
    %dma_start3A_3 = arith.constant 0 : i32
    %dma_start3A_4 = tpu.memref_slice %arg13[%dma_start3A, %dma_start3A_3] : memref<32x200xi32, #tpu.memory_space<vmem>> -> memref<1x200xi32, #tpu.memory_space<vmem>>
    %dma_start3A_5 = tpu.memref_squeeze %dma_start3A_4 : memref<1x200xi32, #tpu.memory_space<vmem>> -> memref<200xi32, #tpu.memory_space<vmem>>
    %dma_start3A_6 = arith.constant 0 : i32
    %dma_start3A_7 = arith.constant 0 : i32
    %dma_start3A_8 = tpu.memref_slice %arg3[%dma_start3A_6, %dma_start3A_7] : memref<1000000x64xf32, #tpu.memory_space<hbm>> -> memref<1000000x64xf32, #tpu.memory_space<hbm>>
    tpu.enqueue_indirect_dma source(%dma_start3A_8 : memref<1000000x64xf32, #tpu.memory_space<hbm>>) target(%arg5 : memref<200x64xf32, #tpu.memory_space<vmem>>) offsets(%dma_start3A_5 : memref<200xi32, #tpu.memory_space<vmem>>) semaphore(%arg9 : memref<!tpu.dma_semaphore, #tpu.memory_space<semaphore_mem>>)
    %dma_start3A_9 = arith.constant 1 : i32
    %dma_start3A_10 = arith.constant 0 : i32
    %dma_start3A_11 = tpu.memref_slice %arg13[%dma_start3A_9, %dma_start3A_10] : memref<32x200xi32, #tpu.memory_space<vmem>> -> memref<1x200xi32, #tpu.memory_space<vmem>>
    %dma_start3A_12 = tpu.memref_squeeze %dma_start3A_11 : memref<1x200xi32, #tpu.memory_space<vmem>> -> memref<200xi32, #tpu.memory_space<vmem>>
    %dma_start3A_13 = arith.constant 0 : i32
    %dma_start3A_14 = arith.constant 0 : i32
    %dma_start3A_15 = tpu.memref_slice %arg3[%dma_start3A_13, %dma_start3A_14] : memref<1000000x64xf32, #tpu.memory_space<hbm>> -> memref<1000000x64xf32, #tpu.memory_space<hbm>>
    tpu.enqueue_indirect_dma source(%dma_start3A_15 : memref<1000000x64xf32, #tpu.memory_space<hbm>>) target(%arg6 : memref<200x64xf32, #tpu.memory_space<vmem>>) offsets(%dma_start3A_12 : memref<200xi32, #tpu.memory_space<vmem>>) semaphore(%arg10 : memref<!tpu.dma_semaphore, #tpu.memory_space<semaphore_mem>>)
    %scan3A = arith.constant 0 : i32
    %scan3A_16 = arith.constant 8 : i32
    %scan3A_17 = arith.addi %scan3A, %scan3A_16 : i32
    %scan3A_18 = arith.constant 1 : i32
    scf.for %scan3A_39 = %scan3A to %scan3A_17 step %scan3A_18  : i32 {
      %mul3A_40 = arith.constant 1 : i32
      %mul3A_41 = arith.muli %scan3A_39, %mul3A_40 : i32
      %add3A_42 = arith.constant 0 : i32
      %add3A_43 = arith.addi %add3A_42, %mul3A_41 : i32
      %mul3A_44 = arith.constant 4 : i32
      %mul3A_45 = arith.muli %add3A_43, %mul3A_44 : i32
      %add3A_46 = arith.constant 0 : i32
      %add3A_47 = arith.addi %mul3A_45, %add3A_46 : i32
      %add3A_48 = arith.constant 2 : i32
      %add3A_49 = arith.addi %add3A_47, %add3A_48 : i32
      %lt3A = arith.constant 32 : i32
      %lt3A_50 = arith.cmpi slt, %add3A_49, %lt3A : i32
      %convert_element_type3A = arith.extui %lt3A_50 : i1 to i32
      %cond3A = arith.constant 0 : i32
      %cond3A_51 = arith.cmpi ne, %convert_element_type3A, %cond3A : i32
      scf.if %cond3A_51 {
        %ge3A = arith.constant 4 : i32
        %ge3A_165 = arith.cmpi sge, %add3A_49, %ge3A : i32
        %convert_element_type3A_166 = arith.extui %ge3A_165 : i1 to i32
        %cond3A_167 = arith.constant 0 : i32
        %cond3A_168 = arith.cmpi ne, %convert_element_type3A_166, %cond3A_167 : i32
        scf.if %cond3A_168 {
          %sub3A = arith.constant 4 : i32
          %sub3A_175 = arith.subi %add3A_49, %sub3A : i32
          %add3A_176 = arith.addi %mul3A_2, %sub3A_175 : i32
          %dma_wait3A_177 = arith.constant 0 : i32
          %dma_wait3A_178 = arith.constant 0 : i32
          %dma_wait3A_179 = tpu.memref_slice %arg4[%add3A_176, %dma_wait3A_177, %dma_wait3A_178] : memref<1024x200x64xf32, #tpu.memory_space<hbm>> -> memref<1x200x64xf32, #tpu.memory_space<hbm>>
          %dma_wait3A_180 = tpu.memref_squeeze %dma_wait3A_179 : memref<1x200x64xf32, #tpu.memory_space<hbm>> -> memref<200x64xf32, #tpu.memory_space<hbm>>
          %dma_wait3A_181 = arith.constant 0 : i32
          %dma_wait3A_182 = arith.constant 0 : i32
          %dma_wait3A_183 = tpu.memref_slice %arg4[%add3A_176, %dma_wait3A_181, %dma_wait3A_182] : memref<1024x200x64xf32, #tpu.memory_space<hbm>> -> memref<1x200x64xf32, #tpu.memory_space<hbm>>
          %dma_wait3A_184 = tpu.memref_squeeze %dma_wait3A_183 : memref<1x200x64xf32, #tpu.memory_space<hbm>> -> memref<200x64xf32, #tpu.memory_space<hbm>>
          tpu.wait_dma2 semaphore(%arg16 : memref<!tpu.dma_semaphore, #tpu.memory_space<semaphore_mem>>) src(%arg7 : memref<200x64xf32, #tpu.memory_space<vmem>>) dst(%dma_wait3A_184 : memref<200x64xf32, #tpu.memory_space<hbm>>)
        } else {
        }
        %dma_start3A_169 = arith.constant 0 : i32
        %dma_start3A_170 = tpu.memref_slice %arg13[%add3A_49, %dma_start3A_169] : memref<32x200xi32, #tpu.memory_space<vmem>> -> memref<1x200xi32, #tpu.memory_space<vmem>>
        %dma_start3A_171 = tpu.memref_squeeze %dma_start3A_170 : memref<1x200xi32, #tpu.memory_space<vmem>> -> memref<200xi32, #tpu.memory_space<vmem>>
        %dma_start3A_172 = arith.constant 0 : i32
        %dma_start3A_173 = arith.constant 0 : i32
        %dma_start3A_174 = tpu.memref_slice %arg3[%dma_start3A_172, %dma_start3A_173] : memref<1000000x64xf32, #tpu.memory_space<hbm>> -> memref<1000000x64xf32, #tpu.memory_space<hbm>>
        tpu.enqueue_indirect_dma source(%dma_start3A_174 : memref<1000000x64xf32, #tpu.memory_space<hbm>>) target(%arg7 : memref<200x64xf32, #tpu.memory_space<vmem>>) offsets(%dma_start3A_171 : memref<200xi32, #tpu.memory_space<vmem>>) semaphore(%arg11 : memref<!tpu.dma_semaphore, #tpu.memory_space<semaphore_mem>>)
      } else {
      }
      %dma_wait3A_52 = arith.constant 0 : i32
      %dma_wait3A_53 = tpu.memref_slice %arg13[%add3A_47, %dma_wait3A_52] : memref<32x200xi32, #tpu.memory_space<vmem>> -> memref<1x200xi32, #tpu.memory_space<vmem>>
      %dma_wait3A_54 = tpu.memref_squeeze %dma_wait3A_53 : memref<1x200xi32, #tpu.memory_space<vmem>> -> memref<200xi32, #tpu.memory_space<vmem>>
      %dma_wait3A_55 = arith.constant 0 : i32
      %dma_wait3A_56 = arith.constant 0 : i32
      %dma_wait3A_57 = tpu.memref_slice %arg3[%dma_wait3A_55, %dma_wait3A_56] : memref<1000000x64xf32, #tpu.memory_space<hbm>> -> memref<1000000x64xf32, #tpu.memory_space<hbm>>
      tpu.wait_indirect_dma semaphore(%arg9 : memref<!tpu.dma_semaphore, #tpu.memory_space<semaphore_mem>>) src(%dma_wait3A_57 : memref<1000000x64xf32, #tpu.memory_space<hbm>>) dst(%arg5 : memref<200x64xf32, #tpu.memory_space<vmem>>)
      %scan3A_58 = arith.constant 0 : i32
      %scan3A_59 = arith.constant 200 : i32
      %scan3A_60 = arith.addi %scan3A_58, %scan3A_59 : i32
      %scan3A_61 = arith.constant 4 : i32
      scf.for %scan3A_165 = %scan3A_58 to %scan3A_60 step %scan3A_61  : i32 {
        %mul3A_166 = arith.constant 1 : i32
        %mul3A_167 = arith.muli %scan3A_165, %mul3A_166 : i32
        %add3A_168 = arith.constant 0 : i32
        %add3A_169 = arith.addi %add3A_168, %mul3A_167 : i32
        %get3A = arith.index_cast %add3A_169 : i32 to index
        %get3A_170 = arith.constant 0 : index
        %get3A_171 = tpu.vector_load %arg5[%get3A, %get3A_170] {strides = array<i32>} : memref<200x64xf32, #tpu.memory_space<vmem>>, vector<1x16xf32>,
        %get3A_172 = vector.shape_cast %get3A_171 : vector<1x16xf32> to vector<16xf32>
        %mul3A_173 = arith.constant 8.000000e+00 : f32
        %mul3A_174 = vector.broadcast %mul3A_173 : f32 to vector<16xf32>
        %mul3A_175 = arith.mulf %get3A_172, %mul3A_174 : vector<16xf32>
        %swap3A = arith.index_cast %add3A_169 : i32 to index
        %swap3A_176 = arith.constant 0 : index
        %swap3A_177 = tpu.vector_load %arg5[%swap3A, %swap3A_176] {strides = array<i32>} : memref<200x64xf32, #tpu.memory_space<vmem>>, vector<1x16xf32>,
        %swap3A_178 = vector.shape_cast %swap3A_177 : vector<1x16xf32> to vector<16xf32>
        %swap3A_179 = vector.shape_cast %mul3A_175 : vector<16xf32> to vector<1x16xf32>
        tpu.vector_store %arg5[%swap3A, %swap3A_176], %swap3A_179 {strides = array<i32>} : memref<200x64xf32, #tpu.memory_space<vmem>>, vector<1x16xf32>,
        %get3A_180 = arith.index_cast %add3A_169 : i32 to index
        %get3A_181 = arith.constant 16 : index
        %get3A_182 = tpu.vector_load %arg5[%get3A_180, %get3A_181] {strides = array<i32>} : memref<200x64xf32, #tpu.memory_space<vmem>>, vector<1x16xf32>,
        %get3A_183 = vector.shape_cast %get3A_182 : vector<1x16xf32> to vector<16xf32>
        %mul3A_184 = arith.constant 8.000000e+00 : f32
        %mul3A_185 = vector.broadcast %mul3A_184 : f32 to vector<16xf32>
        %mul3A_186 = arith.mulf %get3A_183, %mul3A_185 : vector<16xf32>
        %swap3A_187 = arith.index_cast %add3A_169 : i32 to index
        %swap3A_188 = arith.constant 16 : index
        %swap3A_189 = tpu.vector_load %arg5[%swap3A_187, %swap3A_188] {strides = array<i32>} : memref<200x64xf32, #tpu.memory_space<vmem>>, vector<1x16xf32>,
        %swap3A_190 = vector.shape_cast %swap3A_189 : vector<1x16xf32> to vector<16xf32>
        %swap3A_191 = vector.shape_cast %mul3A_186 : vector<16xf32> to vector<1x16xf32>
        tpu.vector_store %arg5[%swap3A_187, %swap3A_188], %swap3A_191 {strides = array<i32>} : memref<200x64xf32, #tpu.memory_space<vmem>>, vector<1x16xf32>,
        %get3A_192 = arith.index_cast %add3A_169 : i32 to index
        %get3A_193 = arith.constant 32 : index
        %get3A_194 = tpu.vector_load %arg5[%get3A_192, %get3A_193] {strides = array<i32>} : memref<200x64xf32, #tpu.memory_space<vmem>>, vector<1x16xf32>,
        %get3A_195 = vector.shape_cast %get3A_194 : vector<1x16xf32> to vector<16xf32>
        %mul3A_196 = arith.constant 8.000000e+00 : f32
        %mul3A_197 = vector.broadcast %mul3A_196 : f32 to vector<16xf32>
        %mul3A_198 = arith.mulf %get3A_195, %mul3A_197 : vector<16xf32>
        %swap3A_199 = arith.index_cast %add3A_169 : i32 to index
        %swap3A_200 = arith.constant 32 : index
        %swap3A_201 = tpu.vector_load %arg5[%swap3A_199, %swap3A_200] {strides = array<i32>} : memref<200x64xf32, #tpu.memory_space<vmem>>, vector<1x16xf32>,
        %swap3A_202 = vector.shape_cast %swap3A_201 : vector<1x16xf32> to vector<16xf32>
        %swap3A_203 = vector.shape_cast %mul3A_198 : vector<16xf32> to vector<1x16xf32>
        tpu.vector_store %arg5[%swap3A_199, %swap3A_200], %swap3A_203 {strides = array<i32>} : memref<200x64xf32, #tpu.memory_space<vmem>>, vector<1x16xf32>,
        %get3A_204 = arith.index_cast %add3A_169 : i32 to index
        %get3A_205 = arith.constant 48 : index
        %get3A_206 = tpu.vector_load %arg5[%get3A_204, %get3A_205] {strides = array<i32>} : memref<200x64xf32, #tpu.memory_space<vmem>>, vector<1x16xf32>,
        %get3A_207 = vector.shape_cast %get3A_206 : vector<1x16xf32> to vector<16xf32>
        %mul3A_208 = arith.constant 8.000000e+00 : f32
        %mul3A_209 = vector.broadcast %mul3A_208 : f32 to vector<16xf32>
        %mul3A_210 = arith.mulf %get3A_207, %mul3A_209 : vector<16xf32>
        %swap3A_211 = arith.index_cast %add3A_169 : i32 to index
        %swap3A_212 = arith.constant 48 : index
        %swap3A_213 = tpu.vector_load %arg5[%swap3A_211, %swap3A_212] {strides = array<i32>} : memref<200x64xf32, #tpu.memory_space<vmem>>, vector<1x16xf32>,
        %swap3A_214 = vector.shape_cast %swap3A_213 : vector<1x16xf32> to vector<16xf32>
        %swap3A_215 = vector.shape_cast %mul3A_210 : vector<16xf32> to vector<1x16xf32>
        tpu.vector_store %arg5[%swap3A_211, %swap3A_212], %swap3A_215 {strides = array<i32>} : memref<200x64xf32, #tpu.memory_space<vmem>>, vector<1x16xf32>,
        %scan3A_216 = arith.constant 1 : i32
        %scan3A_217 = arith.addi %scan3A_165, %scan3A_216 : i32
        %mul3A_218 = arith.constant 1 : i32
        %mul3A_219 = arith.muli %scan3A_217, %mul3A_218 : i32
        %add3A_220 = arith.constant 0 : i32
        %add3A_221 = arith.addi %add3A_220, %mul3A_219 : i32
        %get3A_222 = arith.index_cast %add3A_221 : i32 to index
        %get3A_223 = arith.constant 0 : index
        %get3A_224 = tpu.vector_load %arg5[%get3A_222, %get3A_223] {strides = array<i32>} : memref<200x64xf32, #tpu.memory_space<vmem>>, vector<1x16xf32>,
        %get3A_225 = vector.shape_cast %get3A_224 : vector<1x16xf32> to vector<16xf32>
        %mul3A_226 = arith.constant 8.000000e+00 : f32
        %mul3A_227 = vector.broadcast %mul3A_226 : f32 to vector<16xf32>
        %mul3A_228 = arith.mulf %get3A_225, %mul3A_227 : vector<16xf32>
        %swap3A_229 = arith.index_cast %add3A_221 : i32 to index
        %swap3A_230 = arith.constant 0 : index
        %swap3A_231 = tpu.vector_load %arg5[%swap3A_229, %swap3A_230] {strides = array<i32>} : memref<200x64xf32, #tpu.memory_space<vmem>>, vector<1x16xf32>,
        %swap3A_232 = vector.shape_cast %swap3A_231 : vector<1x16xf32> to vector<16xf32>
        %swap3A_233 = vector.shape_cast %mul3A_228 : vector<16xf32> to vector<1x16xf32>
        tpu.vector_store %arg5[%swap3A_229, %swap3A_230], %swap3A_233 {strides = array<i32>} : memref<200x64xf32, #tpu.memory_space<vmem>>, vector<1x16xf32>,
        %get3A_234 = arith.index_cast %add3A_221 : i32 to index
        %get3A_235 = arith.constant 16 : index
        %get3A_236 = tpu.vector_load %arg5[%get3A_234, %get3A_235] {strides = array<i32>} : memref<200x64xf32, #tpu.memory_space<vmem>>, vector<1x16xf32>,
        %get3A_237 = vector.shape_cast %get3A_236 : vector<1x16xf32> to vector<16xf32>
        %mul3A_238 = arith.constant 8.000000e+00 : f32
        %mul3A_239 = vector.broadcast %mul3A_238 : f32 to vector<16xf32>
        %mul3A_240 = arith.mulf %get3A_237, %mul3A_239 : vector<16xf32>
        %swap3A_241 = arith.index_cast %add3A_221 : i32 to index
        %swap3A_242 = arith.constant 16 : index
        %swap3A_243 = tpu.vector_load %arg5[%swap3A_241, %swap3A_242] {strides = array<i32>} : memref<200x64xf32, #tpu.memory_space<vmem>>, vector<1x16xf32>,
        %swap3A_244 = vector.shape_cast %swap3A_243 : vector<1x16xf32> to vector<16xf32>
        %swap3A_245 = vector.shape_cast %mul3A_240 : vector<16xf32> to vector<1x16xf32>
        tpu.vector_store %arg5[%swap3A_241, %swap3A_242], %swap3A_245 {strides = array<i32>} : memref<200x64xf32, #tpu.memory_space<vmem>>, vector<1x16xf32>,
        %get3A_246 = arith.index_cast %add3A_221 : i32 to index
        %get3A_247 = arith.constant 32 : index
        %get3A_248 = tpu.vector_load %arg5[%get3A_246, %get3A_247] {strides = array<i32>} : memref<200x64xf32, #tpu.memory_space<vmem>>, vector<1x16xf32>,
        %get3A_249 = vector.shape_cast %get3A_248 : vector<1x16xf32> to vector<16xf32>
        %mul3A_250 = arith.constant 8.000000e+00 : f32
        %mul3A_251 = vector.broadcast %mul3A_250 : f32 to vector<16xf32>
        %mul3A_252 = arith.mulf %get3A_249, %mul3A_251 : vector<16xf32>
        %swap3A_253 = arith.index_cast %add3A_221 : i32 to index
        %swap3A_254 = arith.constant 32 : index
        %swap3A_255 = tpu.vector_load %arg5[%swap3A_253, %swap3A_254] {strides = array<i32>} : memref<200x64xf32, #tpu.memory_space<vmem>>, vector<1x16xf32>,
        %swap3A_256 = vector.shape_cast %swap3A_255 : vector<1x16xf32> to vector<16xf32>
        %swap3A_257 = vector.shape_cast %mul3A_252 : vector<16xf32> to vector<1x16xf32>
        tpu.vector_store %arg5[%swap3A_253, %swap3A_254], %swap3A_257 {strides = array<i32>} : memref<200x64xf32, #tpu.memory_space<vmem>>, vector<1x16xf32>,
        %get3A_258 = arith.index_cast %add3A_221 : i32 to index
        %get3A_259 = arith.constant 48 : index
        %get3A_260 = tpu.vector_load %arg5[%get3A_258, %get3A_259] {strides = array<i32>} : memref<200x64xf32, #tpu.memory_space<vmem>>, vector<1x16xf32>,
        %get3A_261 = vector.shape_cast %get3A_260 : vector<1x16xf32> to vector<16xf32>
        %mul3A_262 = arith.constant 8.000000e+00 : f32
        %mul3A_263 = vector.broadcast %mul3A_262 : f32 to vector<16xf32>
        %mul3A_264 = arith.mulf %get3A_261, %mul3A_263 : vector<16xf32>
        %swap3A_265 = arith.index_cast %add3A_221 : i32 to index
        %swap3A_266 = arith.constant 48 : index
        %swap3A_267 = tpu.vector_load %arg5[%swap3A_265, %swap3A_266] {strides = array<i32>} : memref<200x64xf32, #tpu.memory_space<vmem>>, vector<1x16xf32>,
        %swap3A_268 = vector.shape_cast %swap3A_267 : vector<1x16xf32> to vector<16xf32>
        %swap3A_269 = vector.shape_cast %mul3A_264 : vector<16xf32> to vector<1x16xf32>
        tpu.vector_store %arg5[%swap3A_265, %swap3A_266], %swap3A_269 {strides = array<i32>} : memref<200x64xf32, #tpu.memory_space<vmem>>, vector<1x16xf32>,
        %scan3A_270 = arith.constant 2 : i32
        %scan3A_271 = arith.addi %scan3A_165, %scan3A_270 : i32
        %mul3A_272 = arith.constant 1 : i32
        %mul3A_273 = arith.muli %scan3A_271, %mul3A_272 : i32
        %add3A_274 = arith.constant 0 : i32
        %add3A_275 = arith.addi %add3A_274, %mul3A_273 : i32
        %get3A_276 = arith.index_cast %add3A_275 : i32 to index
        %get3A_277 = arith.constant 0 : index
        %get3A_278 = tpu.vector_load %arg5[%get3A_276, %get3A_277] {strides = array<i32>} : memref<200x64xf32, #tpu.memory_space<vmem>>, vector<1x16xf32>,
        %get3A_279 = vector.shape_cast %get3A_278 : vector<1x16xf32> to vector<16xf32>
        %mul3A_280 = arith.constant 8.000000e+00 : f32
        %mul3A_281 = vector.broadcast %mul3A_280 : f32 to vector<16xf32>
        %mul3A_282 = arith.mulf %get3A_279, %mul3A_281 : vector<16xf32>
        %swap3A_283 = arith.index_cast %add3A_275 : i32 to index
        %swap3A_284 = arith.constant 0 : index
        %swap3A_285 = tpu.vector_load %arg5[%swap3A_283, %swap3A_284] {strides = array<i32>} : memref<200x64xf32, #tpu.memory_space<vmem>>, vector<1x16xf32>,
        %swap3A_286 = vector.shape_cast %swap3A_285 : vector<1x16xf32> to vector<16xf32>
        %swap3A_287 = vector.shape_cast %mul3A_282 : vector<16xf32> to vector<1x16xf32>
        tpu.vector_store %arg5[%swap3A_283, %swap3A_284], %swap3A_287 {strides = array<i32>} : memref<200x64xf32, #tpu.memory_space<vmem>>, vector<1x16xf32>,
        %get3A_288 = arith.index_cast %add3A_275 : i32 to index
        %get3A_289 = arith.constant 16 : index
        %get3A_290 = tpu.vector_load %arg5[%get3A_288, %get3A_289] {strides = array<i32>} : memref<200x64xf32, #tpu.memory_space<vmem>>, vector<1x16xf32>,
        %get3A_291 = vector.shape_cast %get3A_290 : vector<1x16xf32> to vector<16xf32>
        %mul3A_292 = arith.constant 8.000000e+00 : f32
        %mul3A_293 = vector.broadcast %mul3A_292 : f32 to vector<16xf32>
        %mul3A_294 = arith.mulf %get3A_291, %mul3A_293 : vector<16xf32>
        %swap3A_295 = arith.index_cast %add3A_275 : i32 to index
        %swap3A_296 = arith.constant 16 : index
        %swap3A_297 = tpu.vector_load %arg5[%swap3A_295, %swap3A_296] {strides = array<i32>} : memref<200x64xf32, #tpu.memory_space<vmem>>, vector<1x16xf32>,
        %swap3A_298 = vector.shape_cast %swap3A_297 : vector<1x16xf32> to vector<16xf32>
        %swap3A_299 = vector.shape_cast %mul3A_294 : vector<16xf32> to vector<1x16xf32>
        tpu.vector_store %arg5[%swap3A_295, %swap3A_296], %swap3A_299 {strides = array<i32>} : memref<200x64xf32, #tpu.memory_space<vmem>>, vector<1x16xf32>,
        %get3A_300 = arith.index_cast %add3A_275 : i32 to index
        %get3A_301 = arith.constant 32 : index
        %get3A_302 = tpu.vector_load %arg5[%get3A_300, %get3A_301] {strides = array<i32>} : memref<200x64xf32, #tpu.memory_space<vmem>>, vector<1x16xf32>,
        %get3A_303 = vector.shape_cast %get3A_302 : vector<1x16xf32> to vector<16xf32>
        %mul3A_304 = arith.constant 8.000000e+00 : f32
        %mul3A_305 = vector.broadcast %mul3A_304 : f32 to vector<16xf32>
        %mul3A_306 = arith.mulf %get3A_303, %mul3A_305 : vector<16xf32>
        %swap3A_307 = arith.index_cast %add3A_275 : i32 to index
        %swap3A_308 = arith.constant 32 : index
        %swap3A_309 = tpu.vector_load %arg5[%swap3A_307, %swap3A_308] {strides = array<i32>} : memref<200x64xf32, #tpu.memory_space<vmem>>, vector<1x16xf32>,
        %swap3A_310 = vector.shape_cast %swap3A_309 : vector<1x16xf32> to vector<16xf32>
        %swap3A_311 = vector.shape_cast %mul3A_306 : vector<16xf32> to vector<1x16xf32>
        tpu.vector_store %arg5[%swap3A_307, %swap3A_308], %swap3A_311 {strides = array<i32>} : memref<200x64xf32, #tpu.memory_space<vmem>>, vector<1x16xf32>,
        %get3A_312 = arith.index_cast %add3A_275 : i32 to index
        %get3A_313 = arith.constant 48 : index
        %get3A_314 = tpu.vector_load %arg5[%get3A_312, %get3A_313] {strides = array<i32>} : memref<200x64xf32, #tpu.memory_space<vmem>>, vector<1x16xf32>,
        %get3A_315 = vector.shape_cast %get3A_314 : vector<1x16xf32> to vector<16xf32>
        %mul3A_316 = arith.constant 8.000000e+00 : f32
        %mul3A_317 = vector.broadcast %mul3A_316 : f32 to vector<16xf32>
        %mul3A_318 = arith.mulf %get3A_315, %mul3A_317 : vector<16xf32>
        %swap3A_319 = arith.index_cast %add3A_275 : i32 to index
        %swap3A_320 = arith.constant 48 : index
        %swap3A_321 = tpu.vector_load %arg5[%swap3A_319, %swap3A_320] {strides = array<i32>} : memref<200x64xf32, #tpu.memory_space<vmem>>, vector<1x16xf32>,
        %swap3A_322 = vector.shape_cast %swap3A_321 : vector<1x16xf32> to vector<16xf32>
        %swap3A_323 = vector.shape_cast %mul3A_318 : vector<16xf32> to vector<1x16xf32>
        tpu.vector_store %arg5[%swap3A_319, %swap3A_320], %swap3A_323 {strides = array<i32>} : memref<200x64xf32, #tpu.memory_space<vmem>>, vector<1x16xf32>,
        %scan3A_324 = arith.constant 3 : i32
        %scan3A_325 = arith.addi %scan3A_165, %scan3A_324 : i32
        %mul3A_326 = arith.constant 1 : i32
        %mul3A_327 = arith.muli %scan3A_325, %mul3A_326 : i32
        %add3A_328 = arith.constant 0 : i32
        %add3A_329 = arith.addi %add3A_328, %mul3A_327 : i32
        %get3A_330 = arith.index_cast %add3A_329 : i32 to index
        %get3A_331 = arith.constant 0 : index
        %get3A_332 = tpu.vector_load %arg5[%get3A_330, %get3A_331] {strides = array<i32>} : memref<200x64xf32, #tpu.memory_space<vmem>>, vector<1x16xf32>,
        %get3A_333 = vector.shape_cast %get3A_332 : vector<1x16xf32> to vector<16xf32>
        %mul3A_334 = arith.constant 8.000000e+00 : f32
        %mul3A_335 = vector.broadcast %mul3A_334 : f32 to vector<16xf32>
        %mul3A_336 = arith.mulf %get3A_333, %mul3A_335 : vector<16xf32>
        %swap3A_337 = arith.index_cast %add3A_329 : i32 to index
        %swap3A_338 = arith.constant 0 : index
        %swap3A_339 = tpu.vector_load %arg5[%swap3A_337, %swap3A_338] {strides = array<i32>} : memref<200x64xf32, #tpu.memory_space<vmem>>, vector<1x16xf32>,
        %swap3A_340 = vector.shape_cast %swap3A_339 : vector<1x16xf32> to vector<16xf32>
        %swap3A_341 = vector.shape_cast %mul3A_336 : vector<16xf32> to vector<1x16xf32>
        tpu.vector_store %arg5[%swap3A_337, %swap3A_338], %swap3A_341 {strides = array<i32>} : memref<200x64xf32, #tpu.memory_space<vmem>>, vector<1x16xf32>,
        %get3A_342 = arith.index_cast %add3A_329 : i32 to index
        %get3A_343 = arith.constant 16 : index
        %get3A_344 = tpu.vector_load %arg5[%get3A_342, %get3A_343] {strides = array<i32>} : memref<200x64xf32, #tpu.memory_space<vmem>>, vector<1x16xf32>,
        %get3A_345 = vector.shape_cast %get3A_344 : vector<1x16xf32> to vector<16xf32>
        %mul3A_346 = arith.constant 8.000000e+00 : f32
        %mul3A_347 = vector.broadcast %mul3A_346 : f32 to vector<16xf32>
        %mul3A_348 = arith.mulf %get3A_345, %mul3A_347 : vector<16xf32>
        %swap3A_349 = arith.index_cast %add3A_329 : i32 to index
        %swap3A_350 = arith.constant 16 : index
        %swap3A_351 = tpu.vector_load %arg5[%swap3A_349, %swap3A_350] {strides = array<i32>} : memref<200x64xf32, #tpu.memory_space<vmem>>, vector<1x16xf32>,
        %swap3A_352 = vector.shape_cast %swap3A_351 : vector<1x16xf32> to vector<16xf32>
        %swap3A_353 = vector.shape_cast %mul3A_348 : vector<16xf32> to vector<1x16xf32>
        tpu.vector_store %arg5[%swap3A_349, %swap3A_350], %swap3A_353 {strides = array<i32>} : memref<200x64xf32, #tpu.memory_space<vmem>>, vector<1x16xf32>,
        %get3A_354 = arith.index_cast %add3A_329 : i32 to index
        %get3A_355 = arith.constant 32 : index
        %get3A_356 = tpu.vector_load %arg5[%get3A_354, %get3A_355] {strides = array<i32>} : memref<200x64xf32, #tpu.memory_space<vmem>>, vector<1x16xf32>,
        %get3A_357 = vector.shape_cast %get3A_356 : vector<1x16xf32> to vector<16xf32>
        %mul3A_358 = arith.constant 8.000000e+00 : f32
        %mul3A_359 = vector.broadcast %mul3A_358 : f32 to vector<16xf32>
        %mul3A_360 = arith.mulf %get3A_357, %mul3A_359 : vector<16xf32>
        %swap3A_361 = arith.index_cast %add3A_329 : i32 to index
        %swap3A_362 = arith.constant 32 : index
        %swap3A_363 = tpu.vector_load %arg5[%swap3A_361, %swap3A_362] {strides = array<i32>} : memref<200x64xf32, #tpu.memory_space<vmem>>, vector<1x16xf32>,
        %swap3A_364 = vector.shape_cast %swap3A_363 : vector<1x16xf32> to vector<16xf32>
        %swap3A_365 = vector.shape_cast %mul3A_360 : vector<16xf32> to vector<1x16xf32>
        tpu.vector_store %arg5[%swap3A_361, %swap3A_362], %swap3A_365 {strides = array<i32>} : memref<200x64xf32, #tpu.memory_space<vmem>>, vector<1x16xf32>,
        %get3A_366 = arith.index_cast %add3A_329 : i32 to index
        %get3A_367 = arith.constant 48 : index
        %get3A_368 = tpu.vector_load %arg5[%get3A_366, %get3A_367] {strides = array<i32>} : memref<200x64xf32, #tpu.memory_space<vmem>>, vector<1x16xf32>,
        %get3A_369 = vector.shape_cast %get3A_368 : vector<1x16xf32> to vector<16xf32>
        %mul3A_370 = arith.constant 8.000000e+00 : f32
        %mul3A_371 = vector.broadcast %mul3A_370 : f32 to vector<16xf32>
        %mul3A_372 = arith.mulf %get3A_369, %mul3A_371 : vector<16xf32>
        %swap3A_373 = arith.index_cast %add3A_329 : i32 to index
        %swap3A_374 = arith.constant 48 : index
        %swap3A_375 = tpu.vector_load %arg5[%swap3A_373, %swap3A_374] {strides = array<i32>} : memref<200x64xf32, #tpu.memory_space<vmem>>, vector<1x16xf32>,
        %swap3A_376 = vector.shape_cast %swap3A_375 : vector<1x16xf32> to vector<16xf32>
        %swap3A_377 = vector.shape_cast %mul3A_372 : vector<16xf32> to vector<1x16xf32>
        tpu.vector_store %arg5[%swap3A_373, %swap3A_374], %swap3A_377 {strides = array<i32>} : memref<200x64xf32, #tpu.memory_space<vmem>>, vector<1x16xf32>,
      }
      %scan3A_62 = arith.constant 200 : i32
      %add3A_63 = arith.addi %mul3A_2, %add3A_47 : i32
      %dma_start3A_64 = arith.constant 0 : i32
      %dma_start3A_65 = arith.constant 0 : i32
      %dma_start3A_66 = tpu.memref_slice %arg4[%add3A_63, %dma_start3A_64, %dma_start3A_65] : memref<1024x200x64xf32, #tpu.memory_space<hbm>> -> memref<1x200x64xf32, #tpu.memory_space<hbm>>
      %dma_start3A_67 = tpu.memref_squeeze %dma_start3A_66 : memref<1x200x64xf32, #tpu.memory_space<hbm>> -> memref<200x64xf32, #tpu.memory_space<hbm>>
      %dma_start3A_68 = arith.constant 0 : i32
      %dma_start3A_69 = arith.constant 0 : i32
      %dma_start3A_70 = tpu.memref_slice %arg4[%add3A_63, %dma_start3A_68, %dma_start3A_69] : memref<1024x200x64xf32, #tpu.memory_space<hbm>> -> memref<1x200x64xf32, #tpu.memory_space<hbm>>
      %dma_start3A_71 = tpu.memref_squeeze %dma_start3A_70 : memref<1x200x64xf32, #tpu.memory_space<hbm>> -> memref<200x64xf32, #tpu.memory_space<hbm>>
      tpu.enqueue_dma source(%arg5 : memref<200x64xf32, #tpu.memory_space<vmem>>) target(%dma_start3A_71 : memref<200x64xf32, #tpu.memory_space<hbm>>) target_semaphore(%arg14 : memref<!tpu.dma_semaphore, #tpu.memory_space<semaphore_mem>>)
      %mul3A_72 = arith.constant 4 : i32
      %mul3A_73 = arith.muli %add3A_43, %mul3A_72 : i32
      %add3A_74 = arith.constant 1 : i32
      %add3A_75 = arith.addi %mul3A_73, %add3A_74 : i32
      %add3A_76 = arith.constant 2 : i32
      %add3A_77 = arith.addi %add3A_75, %add3A_76 : i32
      %lt3A_78 = arith.constant 32 : i32
      %lt3A_79 = arith.cmpi slt, %add3A_77, %lt3A_78 : i32
      %convert_element_type3A_80 = arith.extui %lt3A_79 : i1 to i32
      %cond3A_81 = arith.constant 0 : i32
      %cond3A_82 = arith.cmpi ne, %convert_element_type3A_80, %cond3A_81 : i32
      scf.if %cond3A_82 {
        %ge3A = arith.constant 4 : i32
        %ge3A_165 = arith.cmpi sge, %add3A_77, %ge3A : i32
        %convert_element_type3A_166 = arith.extui %ge3A_165 : i1 to i32
        %cond3A_167 = arith.constant 0 : i32
        %cond3A_168 = arith.cmpi ne, %convert_element_type3A_166, %cond3A_167 : i32
        scf.if %cond3A_168 {
          %sub3A = arith.constant 4 : i32
          %sub3A_175 = arith.subi %add3A_77, %sub3A : i32
          %add3A_176 = arith.addi %mul3A_2, %sub3A_175 : i32
          %dma_wait3A_177 = arith.constant 0 : i32
          %dma_wait3A_178 = arith.constant 0 : i32
          %dma_wait3A_179 = tpu.memref_slice %arg4[%add3A_176, %dma_wait3A_177, %dma_wait3A_178] : memref<1024x200x64xf32, #tpu.memory_space<hbm>> -> memref<1x200x64xf32, #tpu.memory_space<hbm>>
          %dma_wait3A_180 = tpu.memref_squeeze %dma_wait3A_179 : memref<1x200x64xf32, #tpu.memory_space<hbm>> -> memref<200x64xf32, #tpu.memory_space<hbm>>
          %dma_wait3A_181 = arith.constant 0 : i32
          %dma_wait3A_182 = arith.constant 0 : i32
          %dma_wait3A_183 = tpu.memref_slice %arg4[%add3A_176, %dma_wait3A_181, %dma_wait3A_182] : memref<1024x200x64xf32, #tpu.memory_space<hbm>> -> memref<1x200x64xf32, #tpu.memory_space<hbm>>
          %dma_wait3A_184 = tpu.memref_squeeze %dma_wait3A_183 : memref<1x200x64xf32, #tpu.memory_space<hbm>> -> memref<200x64xf32, #tpu.memory_space<hbm>>
          tpu.wait_dma2 semaphore(%arg17 : memref<!tpu.dma_semaphore, #tpu.memory_space<semaphore_mem>>) src(%arg8 : memref<200x64xf32, #tpu.memory_space<vmem>>) dst(%dma_wait3A_184 : memref<200x64xf32, #tpu.memory_space<hbm>>)
        } else {
        }
        %dma_start3A_169 = arith.constant 0 : i32
        %dma_start3A_170 = tpu.memref_slice %arg13[%add3A_77, %dma_start3A_169] : memref<32x200xi32, #tpu.memory_space<vmem>> -> memref<1x200xi32, #tpu.memory_space<vmem>>
        %dma_start3A_171 = tpu.memref_squeeze %dma_start3A_170 : memref<1x200xi32, #tpu.memory_space<vmem>> -> memref<200xi32, #tpu.memory_space<vmem>>
        %dma_start3A_172 = arith.constant 0 : i32
        %dma_start3A_173 = arith.constant 0 : i32
        %dma_start3A_174 = tpu.memref_slice %arg3[%dma_start3A_172, %dma_start3A_173] : memref<1000000x64xf32, #tpu.memory_space<hbm>> -> memref<1000000x64xf32, #tpu.memory_space<hbm>>
        tpu.enqueue_indirect_dma source(%dma_start3A_174 : memref<1000000x64xf32, #tpu.memory_space<hbm>>) target(%arg8 : memref<200x64xf32, #tpu.memory_space<vmem>>) offsets(%dma_start3A_171 : memref<200xi32, #tpu.memory_space<vmem>>) semaphore(%arg12 : memref<!tpu.dma_semaphore, #tpu.memory_space<semaphore_mem>>)
      } else {
      }
      %dma_wait3A_83 = arith.constant 0 : i32
      %dma_wait3A_84 = tpu.memref_slice %arg13[%add3A_75, %dma_wait3A_83] : memref<32x200xi32, #tpu.memory_space<vmem>> -> memref<1x200xi32, #tpu.memory_space<vmem>>
      %dma_wait3A_85 = tpu.memref_squeeze %dma_wait3A_84 : memref<1x200xi32, #tpu.memory_space<vmem>> -> memref<200xi32, #tpu.memory_space<vmem>>
      %dma_wait3A_86 = arith.constant 0 : i32
      %dma_wait3A_87 = arith.constant 0 : i32
      %dma_wait3A_88 = tpu.memref_slice %arg3[%dma_wait3A_86, %dma_wait3A_87] : memref<1000000x64xf32, #tpu.memory_space<hbm>> -> memref<1000000x64xf32, #tpu.memory_space<hbm>>
      tpu.wait_indirect_dma semaphore(%arg10 : memref<!tpu.dma_semaphore, #tpu.memory_space<semaphore_mem>>) src(%dma_wait3A_88 : memref<1000000x64xf32, #tpu.memory_space<hbm>>) dst(%arg6 : memref<200x64xf32, #tpu.memory_space<vmem>>)
      %scan3A_89 = arith.constant 0 : i32
      %scan3A_90 = arith.constant 200 : i32
      %scan3A_91 = arith.addi %scan3A_89, %scan3A_90 : i32
      %scan3A_92 = arith.constant 4 : i32
      scf.for %scan3A_165 = %scan3A_89 to %scan3A_91 step %scan3A_92  : i32 {
        %mul3A_166 = arith.constant 1 : i32
        %mul3A_167 = arith.muli %scan3A_165, %mul3A_166 : i32
        %add3A_168 = arith.constant 0 : i32
        %add3A_169 = arith.addi %add3A_168, %mul3A_167 : i32
        %get3A = arith.index_cast %add3A_169 : i32 to index
        %get3A_170 = arith.constant 0 : index
        %get3A_171 = tpu.vector_load %arg6[%get3A, %get3A_170] {strides = array<i32>} : memref<200x64xf32, #tpu.memory_space<vmem>>, vector<1x16xf32>,
        %get3A_172 = vector.shape_cast %get3A_171 : vector<1x16xf32> to vector<16xf32>
        %mul3A_173 = arith.constant 8.000000e+00 : f32
        %mul3A_174 = vector.broadcast %mul3A_173 : f32 to vector<16xf32>
        %mul3A_175 = arith.mulf %get3A_172, %mul3A_174 : vector<16xf32>
        %swap3A = arith.index_cast %add3A_169 : i32 to index
        %swap3A_176 = arith.constant 0 : index
        %swap3A_177 = tpu.vector_load %arg6[%swap3A, %swap3A_176] {strides = array<i32>} : memref<200x64xf32, #tpu.memory_space<vmem>>, vector<1x16xf32>,
        %swap3A_178 = vector.shape_cast %swap3A_177 : vector<1x16xf32> to vector<16xf32>
        %swap3A_179 = vector.shape_cast %mul3A_175 : vector<16xf32> to vector<1x16xf32>
        tpu.vector_store %arg6[%swap3A, %swap3A_176], %swap3A_179 {strides = array<i32>} : memref<200x64xf32, #tpu.memory_space<vmem>>, vector<1x16xf32>,
        %get3A_180 = arith.index_cast %add3A_169 : i32 to index
        %get3A_181 = arith.constant 16 : index
        %get3A_182 = tpu.vector_load %arg6[%get3A_180, %get3A_181] {strides = array<i32>} : memref<200x64xf32, #tpu.memory_space<vmem>>, vector<1x16xf32>,
        %get3A_183 = vector.shape_cast %get3A_182 : vector<1x16xf32> to vector<16xf32>
        %mul3A_184 = arith.constant 8.000000e+00 : f32
        %mul3A_185 = vector.broadcast %mul3A_184 : f32 to vector<16xf32>
        %mul3A_186 = arith.mulf %get3A_183, %mul3A_185 : vector<16xf32>
        %swap3A_187 = arith.index_cast %add3A_169 : i32 to index
        %swap3A_188 = arith.constant 16 : index
        %swap3A_189 = tpu.vector_load %arg6[%swap3A_187, %swap3A_188] {strides = array<i32>} : memref<200x64xf32, #tpu.memory_space<vmem>>, vector<1x16xf32>,
        %swap3A_190 = vector.shape_cast %swap3A_189 : vector<1x16xf32> to vector<16xf32>
        %swap3A_191 = vector.shape_cast %mul3A_186 : vector<16xf32> to vector<1x16xf32>
        tpu.vector_store %arg6[%swap3A_187, %swap3A_188], %swap3A_191 {strides = array<i32>} : memref<200x64xf32, #tpu.memory_space<vmem>>, vector<1x16xf32>,
        %get3A_192 = arith.index_cast %add3A_169 : i32 to index
        %get3A_193 = arith.constant 32 : index
        %get3A_194 = tpu.vector_load %arg6[%get3A_192, %get3A_193] {strides = array<i32>} : memref<200x64xf32, #tpu.memory_space<vmem>>, vector<1x16xf32>,
        %get3A_195 = vector.shape_cast %get3A_194 : vector<1x16xf32> to vector<16xf32>
        %mul3A_196 = arith.constant 8.000000e+00 : f32
        %mul3A_197 = vector.broadcast %mul3A_196 : f32 to vector<16xf32>
        %mul3A_198 = arith.mulf %get3A_195, %mul3A_197 : vector<16xf32>
        %swap3A_199 = arith.index_cast %add3A_169 : i32 to index
        %swap3A_200 = arith.constant 32 : index
        %swap3A_201 = tpu.vector_load %arg6[%swap3A_199, %swap3A_200] {strides = array<i32>} : memref<200x64xf32, #tpu.memory_space<vmem>>, vector<1x16xf32>,
        %swap3A_202 = vector.shape_cast %swap3A_201 : vector<1x16xf32> to vector<16xf32>
        %swap3A_203 = vector.shape_cast %mul3A_198 : vector<16xf32> to vector<1x16xf32>
        tpu.vector_store %arg6[%swap3A_199, %swap3A_200], %swap3A_203 {strides = array<i32>} : memref<200x64xf32, #tpu.memory_space<vmem>>, vector<1x16xf32>,
        %get3A_204 = arith.index_cast %add3A_169 : i32 to index
        %get3A_205 = arith.constant 48 : index
        %get3A_206 = tpu.vector_load %arg6[%get3A_204, %get3A_205] {strides = array<i32>} : memref<200x64xf32, #tpu.memory_space<vmem>>, vector<1x16xf32>,
        %get3A_207 = vector.shape_cast %get3A_206 : vector<1x16xf32> to vector<16xf32>
        %mul3A_208 = arith.constant 8.000000e+00 : f32
        %mul3A_209 = vector.broadcast %mul3A_208 : f32 to vector<16xf32>
        %mul3A_210 = arith.mulf %get3A_207, %mul3A_209 : vector<16xf32>
        %swap3A_211 = arith.index_cast %add3A_169 : i32 to index
        %swap3A_212 = arith.constant 48 : index
        %swap3A_213 = tpu.vector_load %arg6[%swap3A_211, %swap3A_212] {strides = array<i32>} : memref<200x64xf32, #tpu.memory_space<vmem>>, vector<1x16xf32>,
        %swap3A_214 = vector.shape_cast %swap3A_213 : vector<1x16xf32> to vector<16xf32>
        %swap3A_215 = vector.shape_cast %mul3A_210 : vector<16xf32> to vector<1x16xf32>
        tpu.vector_store %arg6[%swap3A_211, %swap3A_212], %swap3A_215 {strides = array<i32>} : memref<200x64xf32, #tpu.memory_space<vmem>>, vector<1x16xf32>,
        %scan3A_216 = arith.constant 1 : i32
        %scan3A_217 = arith.addi %scan3A_165, %scan3A_216 : i32
        %mul3A_218 = arith.constant 1 : i32
        %mul3A_219 = arith.muli %scan3A_217, %mul3A_218 : i32
        %add3A_220 = arith.constant 0 : i32
        %add3A_221 = arith.addi %add3A_220, %mul3A_219 : i32
        %get3A_222 = arith.index_cast %add3A_221 : i32 to index
        %get3A_223 = arith.constant 0 : index
        %get3A_224 = tpu.vector_load %arg6[%get3A_222, %get3A_223] {strides = array<i32>} : memref<200x64xf32, #tpu.memory_space<vmem>>, vector<1x16xf32>,
        %get3A_225 = vector.shape_cast %get3A_224 : vector<1x16xf32> to vector<16xf32>
        %mul3A_226 = arith.constant 8.000000e+00 : f32
        %mul3A_227 = vector.broadcast %mul3A_226 : f32 to vector<16xf32>
        %mul3A_228 = arith.mulf %get3A_225, %mul3A_227 : vector<16xf32>
        %swap3A_229 = arith.index_cast %add3A_221 : i32 to index
        %swap3A_230 = arith.constant 0 : index
        %swap3A_231 = tpu.vector_load %arg6[%swap3A_229, %swap3A_230] {strides = array<i32>} : memref<200x64xf32, #tpu.memory_space<vmem>>, vector<1x16xf32>,
        %swap3A_232 = vector.shape_cast %swap3A_231 : vector<1x16xf32> to vector<16xf32>
        %swap3A_233 = vector.shape_cast %mul3A_228 : vector<16xf32> to vector<1x16xf32>
        tpu.vector_store %arg6[%swap3A_229, %swap3A_230], %swap3A_233 {strides = array<i32>} : memref<200x64xf32, #tpu.memory_space<vmem>>, vector<1x16xf32>,
        %get3A_234 = arith.index_cast %add3A_221 : i32 to index
        %get3A_235 = arith.constant 16 : index
        %get3A_236 = tpu.vector_load %arg6[%get3A_234, %get3A_235] {strides = array<i32>} : memref<200x64xf32, #tpu.memory_space<vmem>>, vector<1x16xf32>,
        %get3A_237 = vector.shape_cast %get3A_236 : vector<1x16xf32> to vector<16xf32>
        %mul3A_238 = arith.constant 8.000000e+00 : f32
        %mul3A_239 = vector.broadcast %mul3A_238 : f32 to vector<16xf32>
        %mul3A_240 = arith.mulf %get3A_237, %mul3A_239 : vector<16xf32>
        %swap3A_241 = arith.index_cast %add3A_221 : i32 to index
        %swap3A_242 = arith.constant 16 : index
        %swap3A_243 = tpu.vector_load %arg6[%swap3A_241, %swap3A_242] {strides = array<i32>} : memref<200x64xf32, #tpu.memory_space<vmem>>, vector<1x16xf32>,
        %swap3A_244 = vector.shape_cast %swap3A_243 : vector<1x16xf32> to vector<16xf32>
        %swap3A_245 = vector.shape_cast %mul3A_240 : vector<16xf32> to vector<1x16xf32>
        tpu.vector_store %arg6[%swap3A_241, %swap3A_242], %swap3A_245 {strides = array<i32>} : memref<200x64xf32, #tpu.memory_space<vmem>>, vector<1x16xf32>,
        %get3A_246 = arith.index_cast %add3A_221 : i32 to index
        %get3A_247 = arith.constant 32 : index
        %get3A_248 = tpu.vector_load %arg6[%get3A_246, %get3A_247] {strides = array<i32>} : memref<200x64xf32, #tpu.memory_space<vmem>>, vector<1x16xf32>,
        %get3A_249 = vector.shape_cast %get3A_248 : vector<1x16xf32> to vector<16xf32>
        %mul3A_250 = arith.constant 8.000000e+00 : f32
        %mul3A_251 = vector.broadcast %mul3A_250 : f32 to vector<16xf32>
        %mul3A_252 = arith.mulf %get3A_249, %mul3A_251 : vector<16xf32>
        %swap3A_253 = arith.index_cast %add3A_221 : i32 to index
        %swap3A_254 = arith.constant 32 : index
        %swap3A_255 = tpu.vector_load %arg6[%swap3A_253, %swap3A_254] {strides = array<i32>} : memref<200x64xf32, #tpu.memory_space<vmem>>, vector<1x16xf32>,
        %swap3A_256 = vector.shape_cast %swap3A_255 : vector<1x16xf32> to vector<16xf32>
        %swap3A_257 = vector.shape_cast %mul3A_252 : vector<16xf32> to vector<1x16xf32>
        tpu.vector_store %arg6[%swap3A_253, %swap3A_254], %swap3A_257 {strides = array<i32>} : memref<200x64xf32, #tpu.memory_space<vmem>>, vector<1x16xf32>,
        %get3A_258 = arith.index_cast %add3A_221 : i32 to index
        %get3A_259 = arith.constant 48 : index
        %get3A_260 = tpu.vector_load %arg6[%get3A_258, %get3A_259] {strides = array<i32>} : memref<200x64xf32, #tpu.memory_space<vmem>>, vector<1x16xf32>,
        %get3A_261 = vector.shape_cast %get3A_260 : vector<1x16xf32> to vector<16xf32>
        %mul3A_262 = arith.constant 8.000000e+00 : f32
        %mul3A_263 = vector.broadcast %mul3A_262 : f32 to vector<16xf32>
        %mul3A_264 = arith.mulf %get3A_261, %mul3A_263 : vector<16xf32>
        %swap3A_265 = arith.index_cast %add3A_221 : i32 to index
        %swap3A_266 = arith.constant 48 : index
        %swap3A_267 = tpu.vector_load %arg6[%swap3A_265, %swap3A_266] {strides = array<i32>} : memref<200x64xf32, #tpu.memory_space<vmem>>, vector<1x16xf32>,
        %swap3A_268 = vector.shape_cast %swap3A_267 : vector<1x16xf32> to vector<16xf32>
        %swap3A_269 = vector.shape_cast %mul3A_264 : vector<16xf32> to vector<1x16xf32>
        tpu.vector_store %arg6[%swap3A_265, %swap3A_266], %swap3A_269 {strides = array<i32>} : memref<200x64xf32, #tpu.memory_space<vmem>>, vector<1x16xf32>,
        %scan3A_270 = arith.constant 2 : i32
        %scan3A_271 = arith.addi %scan3A_165, %scan3A_270 : i32
        %mul3A_272 = arith.constant 1 : i32
        %mul3A_273 = arith.muli %scan3A_271, %mul3A_272 : i32
        %add3A_274 = arith.constant 0 : i32
        %add3A_275 = arith.addi %add3A_274, %mul3A_273 : i32
        %get3A_276 = arith.index_cast %add3A_275 : i32 to index
        %get3A_277 = arith.constant 0 : index
        %get3A_278 = tpu.vector_load %arg6[%get3A_276, %get3A_277] {strides = array<i32>} : memref<200x64xf32, #tpu.memory_space<vmem>>, vector<1x16xf32>,
        %get3A_279 = vector.shape_cast %get3A_278 : vector<1x16xf32> to vector<16xf32>
        %mul3A_280 = arith.constant 8.000000e+00 : f32
        %mul3A_281 = vector.broadcast %mul3A_280 : f32 to vector<16xf32>
        %mul3A_282 = arith.mulf %get3A_279, %mul3A_281 : vector<16xf32>
        %swap3A_283 = arith.index_cast %add3A_275 : i32 to index
        %swap3A_284 = arith.constant 0 : index
        %swap3A_285 = tpu.vector_load %arg6[%swap3A_283, %swap3A_284] {strides = array<i32>} : memref<200x64xf32, #tpu.memory_space<vmem>>, vector<1x16xf32>,
        %swap3A_286 = vector.shape_cast %swap3A_285 : vector<1x16xf32> to vector<16xf32>
        %swap3A_287 = vector.shape_cast %mul3A_282 : vector<16xf32> to vector<1x16xf32>
        tpu.vector_store %arg6[%swap3A_283, %swap3A_284], %swap3A_287 {strides = array<i32>} : memref<200x64xf32, #tpu.memory_space<vmem>>, vector<1x16xf32>,
        %get3A_288 = arith.index_cast %add3A_275 : i32 to index
        %get3A_289 = arith.constant 16 : index
        %get3A_290 = tpu.vector_load %arg6[%get3A_288, %get3A_289] {strides = array<i32>} : memref<200x64xf32, #tpu.memory_space<vmem>>, vector<1x16xf32>,
        %get3A_291 = vector.shape_cast %get3A_290 : vector<1x16xf32> to vector<16xf32>
        %mul3A_292 = arith.constant 8.000000e+00 : f32
        %mul3A_293 = vector.broadcast %mul3A_292 : f32 to vector<16xf32>
        %mul3A_294 = arith.mulf %get3A_291, %mul3A_293 : vector<16xf32>
        %swap3A_295 = arith.index_cast %add3A_275 : i32 to index
        %swap3A_296 = arith.constant 16 : index
        %swap3A_297 = tpu.vector_load %arg6[%swap3A_295, %swap3A_296] {strides = array<i32>} : memref<200x64xf32, #tpu.memory_space<vmem>>, vector<1x16xf32>,
        %swap3A_298 = vector.shape_cast %swap3A_297 : vector<1x16xf32> to vector<16xf32>
        %swap3A_299 = vector.shape_cast %mul3A_294 : vector<16xf32> to vector<1x16xf32>
        tpu.vector_store %arg6[%swap3A_295, %swap3A_296], %swap3A_299 {strides = array<i32>} : memref<200x64xf32, #tpu.memory_space<vmem>>, vector<1x16xf32>,
        %get3A_300 = arith.index_cast %add3A_275 : i32 to index
        %get3A_301 = arith.constant 32 : index
        %get3A_302 = tpu.vector_load %arg6[%get3A_300, %get3A_301] {strides = array<i32>} : memref<200x64xf32, #tpu.memory_space<vmem>>, vector<1x16xf32>,
        %get3A_303 = vector.shape_cast %get3A_302 : vector<1x16xf32> to vector<16xf32>
        %mul3A_304 = arith.constant 8.000000e+00 : f32
        %mul3A_305 = vector.broadcast %mul3A_304 : f32 to vector<16xf32>
        %mul3A_306 = arith.mulf %get3A_303, %mul3A_305 : vector<16xf32>
        %swap3A_307 = arith.index_cast %add3A_275 : i32 to index
        %swap3A_308 = arith.constant 32 : index
        %swap3A_309 = tpu.vector_load %arg6[%swap3A_307, %swap3A_308] {strides = array<i32>} : memref<200x64xf32, #tpu.memory_space<vmem>>, vector<1x16xf32>,
        %swap3A_310 = vector.shape_cast %swap3A_309 : vector<1x16xf32> to vector<16xf32>
        %swap3A_311 = vector.shape_cast %mul3A_306 : vector<16xf32> to vector<1x16xf32>
        tpu.vector_store %arg6[%swap3A_307, %swap3A_308], %swap3A_311 {strides = array<i32>} : memref<200x64xf32, #tpu.memory_space<vmem>>, vector<1x16xf32>,
        %get3A_312 = arith.index_cast %add3A_275 : i32 to index
        %get3A_313 = arith.constant 48 : index
        %get3A_314 = tpu.vector_load %arg6[%get3A_312, %get3A_313] {strides = array<i32>} : memref<200x64xf32, #tpu.memory_space<vmem>>, vector<1x16xf32>,
        %get3A_315 = vector.shape_cast %get3A_314 : vector<1x16xf32> to vector<16xf32>
        %mul3A_316 = arith.constant 8.000000e+00 : f32
        %mul3A_317 = vector.broadcast %mul3A_316 : f32 to vector<16xf32>
        %mul3A_318 = arith.mulf %get3A_315, %mul3A_317 : vector<16xf32>
        %swap3A_319 = arith.index_cast %add3A_275 : i32 to index
        %swap3A_320 = arith.constant 48 : index
        %swap3A_321 = tpu.vector_load %arg6[%swap3A_319, %swap3A_320] {strides = array<i32>} : memref<200x64xf32, #tpu.memory_space<vmem>>, vector<1x16xf32>,
        %swap3A_322 = vector.shape_cast %swap3A_321 : vector<1x16xf32> to vector<16xf32>
        %swap3A_323 = vector.shape_cast %mul3A_318 : vector<16xf32> to vector<1x16xf32>
        tpu.vector_store %arg6[%swap3A_319, %swap3A_320], %swap3A_323 {strides = array<i32>} : memref<200x64xf32, #tpu.memory_space<vmem>>, vector<1x16xf32>,
        %scan3A_324 = arith.constant 3 : i32
        %scan3A_325 = arith.addi %scan3A_165, %scan3A_324 : i32
        %mul3A_326 = arith.constant 1 : i32
        %mul3A_327 = arith.muli %scan3A_325, %mul3A_326 : i32
        %add3A_328 = arith.constant 0 : i32
        %add3A_329 = arith.addi %add3A_328, %mul3A_327 : i32
        %get3A_330 = arith.index_cast %add3A_329 : i32 to index
        %get3A_331 = arith.constant 0 : index
        %get3A_332 = tpu.vector_load %arg6[%get3A_330, %get3A_331] {strides = array<i32>} : memref<200x64xf32, #tpu.memory_space<vmem>>, vector<1x16xf32>,
        %get3A_333 = vector.shape_cast %get3A_332 : vector<1x16xf32> to vector<16xf32>
        %mul3A_334 = arith.constant 8.000000e+00 : f32
        %mul3A_335 = vector.broadcast %mul3A_334 : f32 to vector<16xf32>
        %mul3A_336 = arith.mulf %get3A_333, %mul3A_335 : vector<16xf32>
        %swap3A_337 = arith.index_cast %add3A_329 : i32 to index
        %swap3A_338 = arith.constant 0 : index
        %swap3A_339 = tpu.vector_load %arg6[%swap3A_337, %swap3A_338] {strides = array<i32>} : memref<200x64xf32, #tpu.memory_space<vmem>>, vector<1x16xf32>,
        %swap3A_340 = vector.shape_cast %swap3A_339 : vector<1x16xf32> to vector<16xf32>
        %swap3A_341 = vector.shape_cast %mul3A_336 : vector<16xf32> to vector<1x16xf32>
        tpu.vector_store %arg6[%swap3A_337, %swap3A_338], %swap3A_341 {strides = array<i32>} : memref<200x64xf32, #tpu.memory_space<vmem>>, vector<1x16xf32>,
        %get3A_342 = arith.index_cast %add3A_329 : i32 to index
        %get3A_343 = arith.constant 16 : index
        %get3A_344 = tpu.vector_load %arg6[%get3A_342, %get3A_343] {strides = array<i32>} : memref<200x64xf32, #tpu.memory_space<vmem>>, vector<1x16xf32>,
        %get3A_345 = vector.shape_cast %get3A_344 : vector<1x16xf32> to vector<16xf32>
        %mul3A_346 = arith.constant 8.000000e+00 : f32
        %mul3A_347 = vector.broadcast %mul3A_346 : f32 to vector<16xf32>
        %mul3A_348 = arith.mulf %get3A_345, %mul3A_347 : vector<16xf32>
        %swap3A_349 = arith.index_cast %add3A_329 : i32 to index
        %swap3A_350 = arith.constant 16 : index
        %swap3A_351 = tpu.vector_load %arg6[%swap3A_349, %swap3A_350] {strides = array<i32>} : memref<200x64xf32, #tpu.memory_space<vmem>>, vector<1x16xf32>,
        %swap3A_352 = vector.shape_cast %swap3A_351 : vector<1x16xf32> to vector<16xf32>
        %swap3A_353 = vector.shape_cast %mul3A_348 : vector<16xf32> to vector<1x16xf32>
        tpu.vector_store %arg6[%swap3A_349, %swap3A_350], %swap3A_353 {strides = array<i32>} : memref<200x64xf32, #tpu.memory_space<vmem>>, vector<1x16xf32>,
        %get3A_354 = arith.index_cast %add3A_329 : i32 to index
        %get3A_355 = arith.constant 32 : index
        %get3A_356 = tpu.vector_load %arg6[%get3A_354, %get3A_355] {strides = array<i32>} : memref<200x64xf32, #tpu.memory_space<vmem>>, vector<1x16xf32>,
        %get3A_357 = vector.shape_cast %get3A_356 : vector<1x16xf32> to vector<16xf32>
        %mul3A_358 = arith.constant 8.000000e+00 : f32
        %mul3A_359 = vector.broadcast %mul3A_358 : f32 to vector<16xf32>
        %mul3A_360 = arith.mulf %get3A_357, %mul3A_359 : vector<16xf32>
        %swap3A_361 = arith.index_cast %add3A_329 : i32 to index
        %swap3A_362 = arith.constant 32 : index
        %swap3A_363 = tpu.vector_load %arg6[%swap3A_361, %swap3A_362] {strides = array<i32>} : memref<200x64xf32, #tpu.memory_space<vmem>>, vector<1x16xf32>,
        %swap3A_364 = vector.shape_cast %swap3A_363 : vector<1x16xf32> to vector<16xf32>
        %swap3A_365 = vector.shape_cast %mul3A_360 : vector<16xf32> to vector<1x16xf32>
        tpu.vector_store %arg6[%swap3A_361, %swap3A_362], %swap3A_365 {strides = array<i32>} : memref<200x64xf32, #tpu.memory_space<vmem>>, vector<1x16xf32>,
        %get3A_366 = arith.index_cast %add3A_329 : i32 to index
        %get3A_367 = arith.constant 48 : index
        %get3A_368 = tpu.vector_load %arg6[%get3A_366, %get3A_367] {strides = array<i32>} : memref<200x64xf32, #tpu.memory_space<vmem>>, vector<1x16xf32>,
        %get3A_369 = vector.shape_cast %get3A_368 : vector<1x16xf32> to vector<16xf32>
        %mul3A_370 = arith.constant 8.000000e+00 : f32
        %mul3A_371 = vector.broadcast %mul3A_370 : f32 to vector<16xf32>
        %mul3A_372 = arith.mulf %get3A_369, %mul3A_371 : vector<16xf32>
        %swap3A_373 = arith.index_cast %add3A_329 : i32 to index
        %swap3A_374 = arith.constant 48 : index
        %swap3A_375 = tpu.vector_load %arg6[%swap3A_373, %swap3A_374] {strides = array<i32>} : memref<200x64xf32, #tpu.memory_space<vmem>>, vector<1x16xf32>,
        %swap3A_376 = vector.shape_cast %swap3A_375 : vector<1x16xf32> to vector<16xf32>
        %swap3A_377 = vector.shape_cast %mul3A_372 : vector<16xf32> to vector<1x16xf32>
        tpu.vector_store %arg6[%swap3A_373, %swap3A_374], %swap3A_377 {strides = array<i32>} : memref<200x64xf32, #tpu.memory_space<vmem>>, vector<1x16xf32>,
      }
      %scan3A_93 = arith.constant 200 : i32
      %add3A_94 = arith.addi %mul3A_2, %add3A_75 : i32
      %dma_start3A_95 = arith.constant 0 : i32
      %dma_start3A_96 = arith.constant 0 : i32
      %dma_start3A_97 = tpu.memref_slice %arg4[%add3A_94, %dma_start3A_95, %dma_start3A_96] : memref<1024x200x64xf32, #tpu.memory_space<hbm>> -> memref<1x200x64xf32, #tpu.memory_space<hbm>>
      %dma_start3A_98 = tpu.memref_squeeze %dma_start3A_97 : memref<1x200x64xf32, #tpu.memory_space<hbm>> -> memref<200x64xf32, #tpu.memory_space<hbm>>
      %dma_start3A_99 = arith.constant 0 : i32
      %dma_start3A_100 = arith.constant 0 : i32
      %dma_start3A_101 = tpu.memref_slice %arg4[%add3A_94, %dma_start3A_99, %dma_start3A_100] : memref<1024x200x64xf32, #tpu.memory_space<hbm>> -> memref<1x200x64xf32, #tpu.memory_space<hbm>>
      %dma_start3A_102 = tpu.memref_squeeze %dma_start3A_101 : memref<1x200x64xf32, #tpu.memory_space<hbm>> -> memref<200x64xf32, #tpu.memory_space<hbm>>
      tpu.enqueue_dma source(%arg6 : memref<200x64xf32, #tpu.memory_space<vmem>>) target(%dma_start3A_102 : memref<200x64xf32, #tpu.memory_space<hbm>>) target_semaphore(%arg15 : memref<!tpu.dma_semaphore, #tpu.memory_space<semaphore_mem>>)
      %mul3A_103 = arith.constant 4 : i32
      %mul3A_104 = arith.muli %add3A_43, %mul3A_103 : i32
      %add3A_105 = arith.constant 2 : i32
      %add3A_106 = arith.addi %mul3A_104, %add3A_105 : i32
      %add3A_107 = arith.constant 2 : i32
      %add3A_108 = arith.addi %add3A_106, %add3A_107 : i32
      %lt3A_109 = arith.constant 32 : i32
      %lt3A_110 = arith.cmpi slt, %add3A_108, %lt3A_109 : i32
      %convert_element_type3A_111 = arith.extui %lt3A_110 : i1 to i32
      %cond3A_112 = arith.constant 0 : i32
      %cond3A_113 = arith.cmpi ne, %convert_element_type3A_111, %cond3A_112 : i32
      scf.if %cond3A_113 {
        %ge3A = arith.constant 4 : i32
        %ge3A_165 = arith.cmpi sge, %add3A_108, %ge3A : i32
        %convert_element_type3A_166 = arith.extui %ge3A_165 : i1 to i32
        %cond3A_167 = arith.constant 0 : i32
        %cond3A_168 = arith.cmpi ne, %convert_element_type3A_166, %cond3A_167 : i32
        scf.if %cond3A_168 {
          %sub3A = arith.constant 4 : i32
          %sub3A_175 = arith.subi %add3A_108, %sub3A : i32
          %add3A_176 = arith.addi %mul3A_2, %sub3A_175 : i32
          %dma_wait3A_177 = arith.constant 0 : i32
          %dma_wait3A_178 = arith.constant 0 : i32
          %dma_wait3A_179 = tpu.memref_slice %arg4[%add3A_176, %dma_wait3A_177, %dma_wait3A_178] : memref<1024x200x64xf32, #tpu.memory_space<hbm>> -> memref<1x200x64xf32, #tpu.memory_space<hbm>>
          %dma_wait3A_180 = tpu.memref_squeeze %dma_wait3A_179 : memref<1x200x64xf32, #tpu.memory_space<hbm>> -> memref<200x64xf32, #tpu.memory_space<hbm>>
          %dma_wait3A_181 = arith.constant 0 : i32
          %dma_wait3A_182 = arith.constant 0 : i32
          %dma_wait3A_183 = tpu.memref_slice %arg4[%add3A_176, %dma_wait3A_181, %dma_wait3A_182] : memref<1024x200x64xf32, #tpu.memory_space<hbm>> -> memref<1x200x64xf32, #tpu.memory_space<hbm>>
          %dma_wait3A_184 = tpu.memref_squeeze %dma_wait3A_183 : memref<1x200x64xf32, #tpu.memory_space<hbm>> -> memref<200x64xf32, #tpu.memory_space<hbm>>
          tpu.wait_dma2 semaphore(%arg14 : memref<!tpu.dma_semaphore, #tpu.memory_space<semaphore_mem>>) src(%arg5 : memref<200x64xf32, #tpu.memory_space<vmem>>) dst(%dma_wait3A_184 : memref<200x64xf32, #tpu.memory_space<hbm>>)
        } else {
        }
        %dma_start3A_169 = arith.constant 0 : i32
        %dma_start3A_170 = tpu.memref_slice %arg13[%add3A_108, %dma_start3A_169] : memref<32x200xi32, #tpu.memory_space<vmem>> -> memref<1x200xi32, #tpu.memory_space<vmem>>
        %dma_start3A_171 = tpu.memref_squeeze %dma_start3A_170 : memref<1x200xi32, #tpu.memory_space<vmem>> -> memref<200xi32, #tpu.memory_space<vmem>>
        %dma_start3A_172 = arith.constant 0 : i32
        %dma_start3A_173 = arith.constant 0 : i32
        %dma_start3A_174 = tpu.memref_slice %arg3[%dma_start3A_172, %dma_start3A_173] : memref<1000000x64xf32, #tpu.memory_space<hbm>> -> memref<1000000x64xf32, #tpu.memory_space<hbm>>
        tpu.enqueue_indirect_dma source(%dma_start3A_174 : memref<1000000x64xf32, #tpu.memory_space<hbm>>) target(%arg5 : memref<200x64xf32, #tpu.memory_space<vmem>>) offsets(%dma_start3A_171 : memref<200xi32, #tpu.memory_space<vmem>>) semaphore(%arg9 : memref<!tpu.dma_semaphore, #tpu.memory_space<semaphore_mem>>)
      } else {
      }
      %dma_wait3A_114 = arith.constant 0 : i32
      %dma_wait3A_115 = tpu.memref_slice %arg13[%add3A_106, %dma_wait3A_114] : memref<32x200xi32, #tpu.memory_space<vmem>> -> memref<1x200xi32, #tpu.memory_space<vmem>>
      %dma_wait3A_116 = tpu.memref_squeeze %dma_wait3A_115 : memref<1x200xi32, #tpu.memory_space<vmem>> -> memref<200xi32, #tpu.memory_space<vmem>>
      %dma_wait3A_117 = arith.constant 0 : i32
      %dma_wait3A_118 = arith.constant 0 : i32
      %dma_wait3A_119 = tpu.memref_slice %arg3[%dma_wait3A_117, %dma_wait3A_118] : memref<1000000x64xf32, #tpu.memory_space<hbm>> -> memref<1000000x64xf32, #tpu.memory_space<hbm>>
      tpu.wait_indirect_dma semaphore(%arg11 : memref<!tpu.dma_semaphore, #tpu.memory_space<semaphore_mem>>) src(%dma_wait3A_119 : memref<1000000x64xf32, #tpu.memory_space<hbm>>) dst(%arg7 : memref<200x64xf32, #tpu.memory_space<vmem>>)
      %scan3A_120 = arith.constant 0 : i32
      %scan3A_121 = arith.constant 200 : i32
      %scan3A_122 = arith.addi %scan3A_120, %scan3A_121 : i32
      %scan3A_123 = arith.constant 4 : i32
      scf.for %scan3A_165 = %scan3A_120 to %scan3A_122 step %scan3A_123  : i32 {
        %mul3A_166 = arith.constant 1 : i32
        %mul3A_167 = arith.muli %scan3A_165, %mul3A_166 : i32
        %add3A_168 = arith.constant 0 : i32
        %add3A_169 = arith.addi %add3A_168, %mul3A_167 : i32
        %get3A = arith.index_cast %add3A_169 : i32 to index
        %get3A_170 = arith.constant 0 : index
        %get3A_171 = tpu.vector_load %arg7[%get3A, %get3A_170] {strides = array<i32>} : memref<200x64xf32, #tpu.memory_space<vmem>>, vector<1x16xf32>,
        %get3A_172 = vector.shape_cast %get3A_171 : vector<1x16xf32> to vector<16xf32>
        %mul3A_173 = arith.constant 8.000000e+00 : f32
        %mul3A_174 = vector.broadcast %mul3A_173 : f32 to vector<16xf32>
        %mul3A_175 = arith.mulf %get3A_172, %mul3A_174 : vector<16xf32>
        %swap3A = arith.index_cast %add3A_169 : i32 to index
        %swap3A_176 = arith.constant 0 : index
        %swap3A_177 = tpu.vector_load %arg7[%swap3A, %swap3A_176] {strides = array<i32>} : memref<200x64xf32, #tpu.memory_space<vmem>>, vector<1x16xf32>,
        %swap3A_178 = vector.shape_cast %swap3A_177 : vector<1x16xf32> to vector<16xf32>
        %swap3A_179 = vector.shape_cast %mul3A_175 : vector<16xf32> to vector<1x16xf32>
        tpu.vector_store %arg7[%swap3A, %swap3A_176], %swap3A_179 {strides = array<i32>} : memref<200x64xf32, #tpu.memory_space<vmem>>, vector<1x16xf32>,
        %get3A_180 = arith.index_cast %add3A_169 : i32 to index
        %get3A_181 = arith.constant 16 : index
        %get3A_182 = tpu.vector_load %arg7[%get3A_180, %get3A_181] {strides = array<i32>} : memref<200x64xf32, #tpu.memory_space<vmem>>, vector<1x16xf32>,
        %get3A_183 = vector.shape_cast %get3A_182 : vector<1x16xf32> to vector<16xf32>
        %mul3A_184 = arith.constant 8.000000e+00 : f32
        %mul3A_185 = vector.broadcast %mul3A_184 : f32 to vector<16xf32>
        %mul3A_186 = arith.mulf %get3A_183, %mul3A_185 : vector<16xf32>
        %swap3A_187 = arith.index_cast %add3A_169 : i32 to index
        %swap3A_188 = arith.constant 16 : index
        %swap3A_189 = tpu.vector_load %arg7[%swap3A_187, %swap3A_188] {strides = array<i32>} : memref<200x64xf32, #tpu.memory_space<vmem>>, vector<1x16xf32>,
        %swap3A_190 = vector.shape_cast %swap3A_189 : vector<1x16xf32> to vector<16xf32>
        %swap3A_191 = vector.shape_cast %mul3A_186 : vector<16xf32> to vector<1x16xf32>
        tpu.vector_store %arg7[%swap3A_187, %swap3A_188], %swap3A_191 {strides = array<i32>} : memref<200x64xf32, #tpu.memory_space<vmem>>, vector<1x16xf32>,
        %get3A_192 = arith.index_cast %add3A_169 : i32 to index
        %get3A_193 = arith.constant 32 : index
        %get3A_194 = tpu.vector_load %arg7[%get3A_192, %get3A_193] {strides = array<i32>} : memref<200x64xf32, #tpu.memory_space<vmem>>, vector<1x16xf32>,
        %get3A_195 = vector.shape_cast %get3A_194 : vector<1x16xf32> to vector<16xf32>
        %mul3A_196 = arith.constant 8.000000e+00 : f32
        %mul3A_197 = vector.broadcast %mul3A_196 : f32 to vector<16xf32>
        %mul3A_198 = arith.mulf %get3A_195, %mul3A_197 : vector<16xf32>
        %swap3A_199 = arith.index_cast %add3A_169 : i32 to index
        %swap3A_200 = arith.constant 32 : index
        %swap3A_201 = tpu.vector_load %arg7[%swap3A_199, %swap3A_200] {strides = array<i32>} : memref<200x64xf32, #tpu.memory_space<vmem>>, vector<1x16xf32>,
        %swap3A_202 = vector.shape_cast %swap3A_201 : vector<1x16xf32> to vector<16xf32>
        %swap3A_203 = vector.shape_cast %mul3A_198 : vector<16xf32> to vector<1x16xf32>
        tpu.vector_store %arg7[%swap3A_199, %swap3A_200], %swap3A_203 {strides = array<i32>} : memref<200x64xf32, #tpu.memory_space<vmem>>, vector<1x16xf32>,
        %get3A_204 = arith.index_cast %add3A_169 : i32 to index
        %get3A_205 = arith.constant 48 : index
        %get3A_206 = tpu.vector_load %arg7[%get3A_204, %get3A_205] {strides = array<i32>} : memref<200x64xf32, #tpu.memory_space<vmem>>, vector<1x16xf32>,
        %get3A_207 = vector.shape_cast %get3A_206 : vector<1x16xf32> to vector<16xf32>
        %mul3A_208 = arith.constant 8.000000e+00 : f32
        %mul3A_209 = vector.broadcast %mul3A_208 : f32 to vector<16xf32>
        %mul3A_210 = arith.mulf %get3A_207, %mul3A_209 : vector<16xf32>
        %swap3A_211 = arith.index_cast %add3A_169 : i32 to index
        %swap3A_212 = arith.constant 48 : index
        %swap3A_213 = tpu.vector_load %arg7[%swap3A_211, %swap3A_212] {strides = array<i32>} : memref<200x64xf32, #tpu.memory_space<vmem>>, vector<1x16xf32>,
        %swap3A_214 = vector.shape_cast %swap3A_213 : vector<1x16xf32> to vector<16xf32>
        %swap3A_215 = vector.shape_cast %mul3A_210 : vector<16xf32> to vector<1x16xf32>
        tpu.vector_store %arg7[%swap3A_211, %swap3A_212], %swap3A_215 {strides = array<i32>} : memref<200x64xf32, #tpu.memory_space<vmem>>, vector<1x16xf32>,
        %scan3A_216 = arith.constant 1 : i32
        %scan3A_217 = arith.addi %scan3A_165, %scan3A_216 : i32
        %mul3A_218 = arith.constant 1 : i32
        %mul3A_219 = arith.muli %scan3A_217, %mul3A_218 : i32
        %add3A_220 = arith.constant 0 : i32
        %add3A_221 = arith.addi %add3A_220, %mul3A_219 : i32
        %get3A_222 = arith.index_cast %add3A_221 : i32 to index
        %get3A_223 = arith.constant 0 : index
        %get3A_224 = tpu.vector_load %arg7[%get3A_222, %get3A_223] {strides = array<i32>} : memref<200x64xf32, #tpu.memory_space<vmem>>, vector<1x16xf32>,
        %get3A_225 = vector.shape_cast %get3A_224 : vector<1x16xf32> to vector<16xf32>
        %mul3A_226 = arith.constant 8.000000e+00 : f32
        %mul3A_227 = vector.broadcast %mul3A_226 : f32 to vector<16xf32>
        %mul3A_228 = arith.mulf %get3A_225, %mul3A_227 : vector<16xf32>
        %swap3A_229 = arith.index_cast %add3A_221 : i32 to index
        %swap3A_230 = arith.constant 0 : index
        %swap3A_231 = tpu.vector_load %arg7[%swap3A_229, %swap3A_230] {strides = array<i32>} : memref<200x64xf32, #tpu.memory_space<vmem>>, vector<1x16xf32>,
        %swap3A_232 = vector.shape_cast %swap3A_231 : vector<1x16xf32> to vector<16xf32>
        %swap3A_233 = vector.shape_cast %mul3A_228 : vector<16xf32> to vector<1x16xf32>
        tpu.vector_store %arg7[%swap3A_229, %swap3A_230], %swap3A_233 {strides = array<i32>} : memref<200x64xf32, #tpu.memory_space<vmem>>, vector<1x16xf32>,
        %get3A_234 = arith.index_cast %add3A_221 : i32 to index
        %get3A_235 = arith.constant 16 : index
        %get3A_236 = tpu.vector_load %arg7[%get3A_234, %get3A_235] {strides = array<i32>} : memref<200x64xf32, #tpu.memory_space<vmem>>, vector<1x16xf32>,
        %get3A_237 = vector.shape_cast %get3A_236 : vector<1x16xf32> to vector<16xf32>
        %mul3A_238 = arith.constant 8.000000e+00 : f32
        %mul3A_239 = vector.broadcast %mul3A_238 : f32 to vector<16xf32>
        %mul3A_240 = arith.mulf %get3A_237, %mul3A_239 : vector<16xf32>
        %swap3A_241 = arith.index_cast %add3A_221 : i32 to index
        %swap3A_242 = arith.constant 16 : index
        %swap3A_243 = tpu.vector_load %arg7[%swap3A_241, %swap3A_242] {strides = array<i32>} : memref<200x64xf32, #tpu.memory_space<vmem>>, vector<1x16xf32>,
        %swap3A_244 = vector.shape_cast %swap3A_243 : vector<1x16xf32> to vector<16xf32>
        %swap3A_245 = vector.shape_cast %mul3A_240 : vector<16xf32> to vector<1x16xf32>
        tpu.vector_store %arg7[%swap3A_241, %swap3A_242], %swap3A_245 {strides = array<i32>} : memref<200x64xf32, #tpu.memory_space<vmem>>, vector<1x16xf32>,
        %get3A_246 = arith.index_cast %add3A_221 : i32 to index
        %get3A_247 = arith.constant 32 : index
        %get3A_248 = tpu.vector_load %arg7[%get3A_246, %get3A_247] {strides = array<i32>} : memref<200x64xf32, #tpu.memory_space<vmem>>, vector<1x16xf32>,
        %get3A_249 = vector.shape_cast %get3A_248 : vector<1x16xf32> to vector<16xf32>
        %mul3A_250 = arith.constant 8.000000e+00 : f32
        %mul3A_251 = vector.broadcast %mul3A_250 : f32 to vector<16xf32>
        %mul3A_252 = arith.mulf %get3A_249, %mul3A_251 : vector<16xf32>
        %swap3A_253 = arith.index_cast %add3A_221 : i32 to index
        %swap3A_254 = arith.constant 32 : index
        %swap3A_255 = tpu.vector_load %arg7[%swap3A_253, %swap3A_254] {strides = array<i32>} : memref<200x64xf32, #tpu.memory_space<vmem>>, vector<1x16xf32>,
        %swap3A_256 = vector.shape_cast %swap3A_255 : vector<1x16xf32> to vector<16xf32>
        %swap3A_257 = vector.shape_cast %mul3A_252 : vector<16xf32> to vector<1x16xf32>
        tpu.vector_store %arg7[%swap3A_253, %swap3A_254], %swap3A_257 {strides = array<i32>} : memref<200x64xf32, #tpu.memory_space<vmem>>, vector<1x16xf32>,
        %get3A_258 = arith.index_cast %add3A_221 : i32 to index
        %get3A_259 = arith.constant 48 : index
        %get3A_260 = tpu.vector_load %arg7[%get3A_258, %get3A_259] {strides = array<i32>} : memref<200x64xf32, #tpu.memory_space<vmem>>, vector<1x16xf32>,
        %get3A_261 = vector.shape_cast %get3A_260 : vector<1x16xf32> to vector<16xf32>
        %mul3A_262 = arith.constant 8.000000e+00 : f32
        %mul3A_263 = vector.broadcast %mul3A_262 : f32 to vector<16xf32>
        %mul3A_264 = arith.mulf %get3A_261, %mul3A_263 : vector<16xf32>
        %swap3A_265 = arith.index_cast %add3A_221 : i32 to index
        %swap3A_266 = arith.constant 48 : index
        %swap3A_267 = tpu.vector_load %arg7[%swap3A_265, %swap3A_266] {strides = array<i32>} : memref<200x64xf32, #tpu.memory_space<vmem>>, vector<1x16xf32>,
        %swap3A_268 = vector.shape_cast %swap3A_267 : vector<1x16xf32> to vector<16xf32>
        %swap3A_269 = vector.shape_cast %mul3A_264 : vector<16xf32> to vector<1x16xf32>
        tpu.vector_store %arg7[%swap3A_265, %swap3A_266], %swap3A_269 {strides = array<i32>} : memref<200x64xf32, #tpu.memory_space<vmem>>, vector<1x16xf32>,
        %scan3A_270 = arith.constant 2 : i32
        %scan3A_271 = arith.addi %scan3A_165, %scan3A_270 : i32
        %mul3A_272 = arith.constant 1 : i32
        %mul3A_273 = arith.muli %scan3A_271, %mul3A_272 : i32
        %add3A_274 = arith.constant 0 : i32
        %add3A_275 = arith.addi %add3A_274, %mul3A_273 : i32
        %get3A_276 = arith.index_cast %add3A_275 : i32 to index
        %get3A_277 = arith.constant 0 : index
        %get3A_278 = tpu.vector_load %arg7[%get3A_276, %get3A_277] {strides = array<i32>} : memref<200x64xf32, #tpu.memory_space<vmem>>, vector<1x16xf32>,
        %get3A_279 = vector.shape_cast %get3A_278 : vector<1x16xf32> to vector<16xf32>
        %mul3A_280 = arith.constant 8.000000e+00 : f32
        %mul3A_281 = vector.broadcast %mul3A_280 : f32 to vector<16xf32>
        %mul3A_282 = arith.mulf %get3A_279, %mul3A_281 : vector<16xf32>
        %swap3A_283 = arith.index_cast %add3A_275 : i32 to index
        %swap3A_284 = arith.constant 0 : index
        %swap3A_285 = tpu.vector_load %arg7[%swap3A_283, %swap3A_284] {strides = array<i32>} : memref<200x64xf32, #tpu.memory_space<vmem>>, vector<1x16xf32>,
        %swap3A_286 = vector.shape_cast %swap3A_285 : vector<1x16xf32> to vector<16xf32>
        %swap3A_287 = vector.shape_cast %mul3A_282 : vector<16xf32> to vector<1x16xf32>
        tpu.vector_store %arg7[%swap3A_283, %swap3A_284], %swap3A_287 {strides = array<i32>} : memref<200x64xf32, #tpu.memory_space<vmem>>, vector<1x16xf32>,
        %get3A_288 = arith.index_cast %add3A_275 : i32 to index
        %get3A_289 = arith.constant 16 : index
        %get3A_290 = tpu.vector_load %arg7[%get3A_288, %get3A_289] {strides = array<i32>} : memref<200x64xf32, #tpu.memory_space<vmem>>, vector<1x16xf32>,
        %get3A_291 = vector.shape_cast %get3A_290 : vector<1x16xf32> to vector<16xf32>
        %mul3A_292 = arith.constant 8.000000e+00 : f32
        %mul3A_293 = vector.broadcast %mul3A_292 : f32 to vector<16xf32>
        %mul3A_294 = arith.mulf %get3A_291, %mul3A_293 : vector<16xf32>
        %swap3A_295 = arith.index_cast %add3A_275 : i32 to index
        %swap3A_296 = arith.constant 16 : index
        %swap3A_297 = tpu.vector_load %arg7[%swap3A_295, %swap3A_296] {strides = array<i32>} : memref<200x64xf32, #tpu.memory_space<vmem>>, vector<1x16xf32>,
        %swap3A_298 = vector.shape_cast %swap3A_297 : vector<1x16xf32> to vector<16xf32>
        %swap3A_299 = vector.shape_cast %mul3A_294 : vector<16xf32> to vector<1x16xf32>
        tpu.vector_store %arg7[%swap3A_295, %swap3A_296], %swap3A_299 {strides = array<i32>} : memref<200x64xf32, #tpu.memory_space<vmem>>, vector<1x16xf32>,
        %get3A_300 = arith.index_cast %add3A_275 : i32 to index
        %get3A_301 = arith.constant 32 : index
        %get3A_302 = tpu.vector_load %arg7[%get3A_300, %get3A_301] {strides = array<i32>} : memref<200x64xf32, #tpu.memory_space<vmem>>, vector<1x16xf32>,
        %get3A_303 = vector.shape_cast %get3A_302 : vector<1x16xf32> to vector<16xf32>
        %mul3A_304 = arith.constant 8.000000e+00 : f32
        %mul3A_305 = vector.broadcast %mul3A_304 : f32 to vector<16xf32>
        %mul3A_306 = arith.mulf %get3A_303, %mul3A_305 : vector<16xf32>
        %swap3A_307 = arith.index_cast %add3A_275 : i32 to index
        %swap3A_308 = arith.constant 32 : index
        %swap3A_309 = tpu.vector_load %arg7[%swap3A_307, %swap3A_308] {strides = array<i32>} : memref<200x64xf32, #tpu.memory_space<vmem>>, vector<1x16xf32>,
        %swap3A_310 = vector.shape_cast %swap3A_309 : vector<1x16xf32> to vector<16xf32>
        %swap3A_311 = vector.shape_cast %mul3A_306 : vector<16xf32> to vector<1x16xf32>
        tpu.vector_store %arg7[%swap3A_307, %swap3A_308], %swap3A_311 {strides = array<i32>} : memref<200x64xf32, #tpu.memory_space<vmem>>, vector<1x16xf32>,
        %get3A_312 = arith.index_cast %add3A_275 : i32 to index
        %get3A_313 = arith.constant 48 : index
        %get3A_314 = tpu.vector_load %arg7[%get3A_312, %get3A_313] {strides = array<i32>} : memref<200x64xf32, #tpu.memory_space<vmem>>, vector<1x16xf32>,
        %get3A_315 = vector.shape_cast %get3A_314 : vector<1x16xf32> to vector<16xf32>
        %mul3A_316 = arith.constant 8.000000e+00 : f32
        %mul3A_317 = vector.broadcast %mul3A_316 : f32 to vector<16xf32>
        %mul3A_318 = arith.mulf %get3A_315, %mul3A_317 : vector<16xf32>
        %swap3A_319 = arith.index_cast %add3A_275 : i32 to index
        %swap3A_320 = arith.constant 48 : index
        %swap3A_321 = tpu.vector_load %arg7[%swap3A_319, %swap3A_320] {strides = array<i32>} : memref<200x64xf32, #tpu.memory_space<vmem>>, vector<1x16xf32>,
        %swap3A_322 = vector.shape_cast %swap3A_321 : vector<1x16xf32> to vector<16xf32>
        %swap3A_323 = vector.shape_cast %mul3A_318 : vector<16xf32> to vector<1x16xf32>
        tpu.vector_store %arg7[%swap3A_319, %swap3A_320], %swap3A_323 {strides = array<i32>} : memref<200x64xf32, #tpu.memory_space<vmem>>, vector<1x16xf32>,
        %scan3A_324 = arith.constant 3 : i32
        %scan3A_325 = arith.addi %scan3A_165, %scan3A_324 : i32
        %mul3A_326 = arith.constant 1 : i32
        %mul3A_327 = arith.muli %scan3A_325, %mul3A_326 : i32
        %add3A_328 = arith.constant 0 : i32
        %add3A_329 = arith.addi %add3A_328, %mul3A_327 : i32
        %get3A_330 = arith.index_cast %add3A_329 : i32 to index
        %get3A_331 = arith.constant 0 : index
        %get3A_332 = tpu.vector_load %arg7[%get3A_330, %get3A_331] {strides = array<i32>} : memref<200x64xf32, #tpu.memory_space<vmem>>, vector<1x16xf32>,
        %get3A_333 = vector.shape_cast %get3A_332 : vector<1x16xf32> to vector<16xf32>
        %mul3A_334 = arith.constant 8.000000e+00 : f32
        %mul3A_335 = vector.broadcast %mul3A_334 : f32 to vector<16xf32>
        %mul3A_336 = arith.mulf %get3A_333, %mul3A_335 : vector<16xf32>
        %swap3A_337 = arith.index_cast %add3A_329 : i32 to index
        %swap3A_338 = arith.constant 0 : index
        %swap3A_339 = tpu.vector_load %arg7[%swap3A_337, %swap3A_338] {strides = array<i32>} : memref<200x64xf32, #tpu.memory_space<vmem>>, vector<1x16xf32>,
        %swap3A_340 = vector.shape_cast %swap3A_339 : vector<1x16xf32> to vector<16xf32>
        %swap3A_341 = vector.shape_cast %mul3A_336 : vector<16xf32> to vector<1x16xf32>
        tpu.vector_store %arg7[%swap3A_337, %swap3A_338], %swap3A_341 {strides = array<i32>} : memref<200x64xf32, #tpu.memory_space<vmem>>, vector<1x16xf32>,
        %get3A_342 = arith.index_cast %add3A_329 : i32 to index
        %get3A_343 = arith.constant 16 : index
        %get3A_344 = tpu.vector_load %arg7[%get3A_342, %get3A_343] {strides = array<i32>} : memref<200x64xf32, #tpu.memory_space<vmem>>, vector<1x16xf32>,
        %get3A_345 = vector.shape_cast %get3A_344 : vector<1x16xf32> to vector<16xf32>
        %mul3A_346 = arith.constant 8.000000e+00 : f32
        %mul3A_347 = vector.broadcast %mul3A_346 : f32 to vector<16xf32>
        %mul3A_348 = arith.mulf %get3A_345, %mul3A_347 : vector<16xf32>
        %swap3A_349 = arith.index_cast %add3A_329 : i32 to index
        %swap3A_350 = arith.constant 16 : index
        %swap3A_351 = tpu.vector_load %arg7[%swap3A_349, %swap3A_350] {strides = array<i32>} : memref<200x64xf32, #tpu.memory_space<vmem>>, vector<1x16xf32>,
        %swap3A_352 = vector.shape_cast %swap3A_351 : vector<1x16xf32> to vector<16xf32>
        %swap3A_353 = vector.shape_cast %mul3A_348 : vector<16xf32> to vector<1x16xf32>
        tpu.vector_store %arg7[%swap3A_349, %swap3A_350], %swap3A_353 {strides = array<i32>} : memref<200x64xf32, #tpu.memory_space<vmem>>, vector<1x16xf32>,
        %get3A_354 = arith.index_cast %add3A_329 : i32 to index
        %get3A_355 = arith.constant 32 : index
        %get3A_356 = tpu.vector_load %arg7[%get3A_354, %get3A_355] {strides = array<i32>} : memref<200x64xf32, #tpu.memory_space<vmem>>, vector<1x16xf32>,
        %get3A_357 = vector.shape_cast %get3A_356 : vector<1x16xf32> to vector<16xf32>
        %mul3A_358 = arith.constant 8.000000e+00 : f32
        %mul3A_359 = vector.broadcast %mul3A_358 : f32 to vector<16xf32>
        %mul3A_360 = arith.mulf %get3A_357, %mul3A_359 : vector<16xf32>
        %swap3A_361 = arith.index_cast %add3A_329 : i32 to index
        %swap3A_362 = arith.constant 32 : index
        %swap3A_363 = tpu.vector_load %arg7[%swap3A_361, %swap3A_362] {strides = array<i32>} : memref<200x64xf32, #tpu.memory_space<vmem>>, vector<1x16xf32>,
        %swap3A_364 = vector.shape_cast %swap3A_363 : vector<1x16xf32> to vector<16xf32>
        %swap3A_365 = vector.shape_cast %mul3A_360 : vector<16xf32> to vector<1x16xf32>
        tpu.vector_store %arg7[%swap3A_361, %swap3A_362], %swap3A_365 {strides = array<i32>} : memref<200x64xf32, #tpu.memory_space<vmem>>, vector<1x16xf32>,
        %get3A_366 = arith.index_cast %add3A_329 : i32 to index
        %get3A_367 = arith.constant 48 : index
        %get3A_368 = tpu.vector_load %arg7[%get3A_366, %get3A_367] {strides = array<i32>} : memref<200x64xf32, #tpu.memory_space<vmem>>, vector<1x16xf32>,
        %get3A_369 = vector.shape_cast %get3A_368 : vector<1x16xf32> to vector<16xf32>
        %mul3A_370 = arith.constant 8.000000e+00 : f32
        %mul3A_371 = vector.broadcast %mul3A_370 : f32 to vector<16xf32>
        %mul3A_372 = arith.mulf %get3A_369, %mul3A_371 : vector<16xf32>
        %swap3A_373 = arith.index_cast %add3A_329 : i32 to index
        %swap3A_374 = arith.constant 48 : index
        %swap3A_375 = tpu.vector_load %arg7[%swap3A_373, %swap3A_374] {strides = array<i32>} : memref<200x64xf32, #tpu.memory_space<vmem>>, vector<1x16xf32>,
        %swap3A_376 = vector.shape_cast %swap3A_375 : vector<1x16xf32> to vector<16xf32>
        %swap3A_377 = vector.shape_cast %mul3A_372 : vector<16xf32> to vector<1x16xf32>
        tpu.vector_store %arg7[%swap3A_373, %swap3A_374], %swap3A_377 {strides = array<i32>} : memref<200x64xf32, #tpu.memory_space<vmem>>, vector<1x16xf32>,
      }
      %scan3A_124 = arith.constant 200 : i32
      %add3A_125 = arith.addi %mul3A_2, %add3A_106 : i32
      %dma_start3A_126 = arith.constant 0 : i32
      %dma_start3A_127 = arith.constant 0 : i32
      %dma_start3A_128 = tpu.memref_slice %arg4[%add3A_125, %dma_start3A_126, %dma_start3A_127] : memref<1024x200x64xf32, #tpu.memory_space<hbm>> -> memref<1x200x64xf32, #tpu.memory_space<hbm>>
      %dma_start3A_129 = tpu.memref_squeeze %dma_start3A_128 : memref<1x200x64xf32, #tpu.memory_space<hbm>> -> memref<200x64xf32, #tpu.memory_space<hbm>>
      %dma_start3A_130 = arith.constant 0 : i32
      %dma_start3A_131 = arith.constant 0 : i32
      %dma_start3A_132 = tpu.memref_slice %arg4[%add3A_125, %dma_start3A_130, %dma_start3A_131] : memref<1024x200x64xf32, #tpu.memory_space<hbm>> -> memref<1x200x64xf32, #tpu.memory_space<hbm>>
      %dma_start3A_133 = tpu.memref_squeeze %dma_start3A_132 : memref<1x200x64xf32, #tpu.memory_space<hbm>> -> memref<200x64xf32, #tpu.memory_space<hbm>>
      tpu.enqueue_dma source(%arg7 : memref<200x64xf32, #tpu.memory_space<vmem>>) target(%dma_start3A_133 : memref<200x64xf32, #tpu.memory_space<hbm>>) target_semaphore(%arg16 : memref<!tpu.dma_semaphore, #tpu.memory_space<semaphore_mem>>)
      %mul3A_134 = arith.constant 4 : i32
      %mul3A_135 = arith.muli %add3A_43, %mul3A_134 : i32
      %add3A_136 = arith.constant 3 : i32
      %add3A_137 = arith.addi %mul3A_135, %add3A_136 : i32
      %add3A_138 = arith.constant 2 : i32
      %add3A_139 = arith.addi %add3A_137, %add3A_138 : i32
      %lt3A_140 = arith.constant 32 : i32
      %lt3A_141 = arith.cmpi slt, %add3A_139, %lt3A_140 : i32
      %convert_element_type3A_142 = arith.extui %lt3A_141 : i1 to i32
      %cond3A_143 = arith.constant 0 : i32
      %cond3A_144 = arith.cmpi ne, %convert_element_type3A_142, %cond3A_143 : i32
      scf.if %cond3A_144 {
        %ge3A = arith.constant 4 : i32
        %ge3A_165 = arith.cmpi sge, %add3A_139, %ge3A : i32
        %convert_element_type3A_166 = arith.extui %ge3A_165 : i1 to i32
        %cond3A_167 = arith.constant 0 : i32
        %cond3A_168 = arith.cmpi ne, %convert_element_type3A_166, %cond3A_167 : i32
        scf.if %cond3A_168 {
          %sub3A = arith.constant 4 : i32
          %sub3A_175 = arith.subi %add3A_139, %sub3A : i32
          %add3A_176 = arith.addi %mul3A_2, %sub3A_175 : i32
          %dma_wait3A_177 = arith.constant 0 : i32
          %dma_wait3A_178 = arith.constant 0 : i32
          %dma_wait3A_179 = tpu.memref_slice %arg4[%add3A_176, %dma_wait3A_177, %dma_wait3A_178] : memref<1024x200x64xf32, #tpu.memory_space<hbm>> -> memref<1x200x64xf32, #tpu.memory_space<hbm>>
          %dma_wait3A_180 = tpu.memref_squeeze %dma_wait3A_179 : memref<1x200x64xf32, #tpu.memory_space<hbm>> -> memref<200x64xf32, #tpu.memory_space<hbm>>
          %dma_wait3A_181 = arith.constant 0 : i32
          %dma_wait3A_182 = arith.constant 0 : i32
          %dma_wait3A_183 = tpu.memref_slice %arg4[%add3A_176, %dma_wait3A_181, %dma_wait3A_182] : memref<1024x200x64xf32, #tpu.memory_space<hbm>> -> memref<1x200x64xf32, #tpu.memory_space<hbm>>
          %dma_wait3A_184 = tpu.memref_squeeze %dma_wait3A_183 : memref<1x200x64xf32, #tpu.memory_space<hbm>> -> memref<200x64xf32, #tpu.memory_space<hbm>>
          tpu.wait_dma2 semaphore(%arg15 : memref<!tpu.dma_semaphore, #tpu.memory_space<semaphore_mem>>) src(%arg6 : memref<200x64xf32, #tpu.memory_space<vmem>>) dst(%dma_wait3A_184 : memref<200x64xf32, #tpu.memory_space<hbm>>)
        } else {
        }
        %dma_start3A_169 = arith.constant 0 : i32
        %dma_start3A_170 = tpu.memref_slice %arg13[%add3A_139, %dma_start3A_169] : memref<32x200xi32, #tpu.memory_space<vmem>> -> memref<1x200xi32, #tpu.memory_space<vmem>>
        %dma_start3A_171 = tpu.memref_squeeze %dma_start3A_170 : memref<1x200xi32, #tpu.memory_space<vmem>> -> memref<200xi32, #tpu.memory_space<vmem>>
        %dma_start3A_172 = arith.constant 0 : i32
        %dma_start3A_173 = arith.constant 0 : i32
        %dma_start3A_174 = tpu.memref_slice %arg3[%dma_start3A_172, %dma_start3A_173] : memref<1000000x64xf32, #tpu.memory_space<hbm>> -> memref<1000000x64xf32, #tpu.memory_space<hbm>>
        tpu.enqueue_indirect_dma source(%dma_start3A_174 : memref<1000000x64xf32, #tpu.memory_space<hbm>>) target(%arg6 : memref<200x64xf32, #tpu.memory_space<vmem>>) offsets(%dma_start3A_171 : memref<200xi32, #tpu.memory_space<vmem>>) semaphore(%arg10 : memref<!tpu.dma_semaphore, #tpu.memory_space<semaphore_mem>>)
      } else {
      }
      %dma_wait3A_145 = arith.constant 0 : i32
      %dma_wait3A_146 = tpu.memref_slice %arg13[%add3A_137, %dma_wait3A_145] : memref<32x200xi32, #tpu.memory_space<vmem>> -> memref<1x200xi32, #tpu.memory_space<vmem>>
      %dma_wait3A_147 = tpu.memref_squeeze %dma_wait3A_146 : memref<1x200xi32, #tpu.memory_space<vmem>> -> memref<200xi32, #tpu.memory_space<vmem>>
      %dma_wait3A_148 = arith.constant 0 : i32
      %dma_wait3A_149 = arith.constant 0 : i32
      %dma_wait3A_150 = tpu.memref_slice %arg3[%dma_wait3A_148, %dma_wait3A_149] : memref<1000000x64xf32, #tpu.memory_space<hbm>> -> memref<1000000x64xf32, #tpu.memory_space<hbm>>
      tpu.wait_indirect_dma semaphore(%arg12 : memref<!tpu.dma_semaphore, #tpu.memory_space<semaphore_mem>>) src(%dma_wait3A_150 : memref<1000000x64xf32, #tpu.memory_space<hbm>>) dst(%arg8 : memref<200x64xf32, #tpu.memory_space<vmem>>)
      %scan3A_151 = arith.constant 0 : i32
      %scan3A_152 = arith.constant 200 : i32
      %scan3A_153 = arith.addi %scan3A_151, %scan3A_152 : i32
      %scan3A_154 = arith.constant 4 : i32
      scf.for %scan3A_165 = %scan3A_151 to %scan3A_153 step %scan3A_154  : i32 {
        %mul3A_166 = arith.constant 1 : i32
        %mul3A_167 = arith.muli %scan3A_165, %mul3A_166 : i32
        %add3A_168 = arith.constant 0 : i32
        %add3A_169 = arith.addi %add3A_168, %mul3A_167 : i32
        %get3A = arith.index_cast %add3A_169 : i32 to index
        %get3A_170 = arith.constant 0 : index
        %get3A_171 = tpu.vector_load %arg8[%get3A, %get3A_170] {strides = array<i32>} : memref<200x64xf32, #tpu.memory_space<vmem>>, vector<1x16xf32>,
        %get3A_172 = vector.shape_cast %get3A_171 : vector<1x16xf32> to vector<16xf32>
        %mul3A_173 = arith.constant 8.000000e+00 : f32
        %mul3A_174 = vector.broadcast %mul3A_173 : f32 to vector<16xf32>
        %mul3A_175 = arith.mulf %get3A_172, %mul3A_174 : vector<16xf32>
        %swap3A = arith.index_cast %add3A_169 : i32 to index
        %swap3A_176 = arith.constant 0 : index
        %swap3A_177 = tpu.vector_load %arg8[%swap3A, %swap3A_176] {strides = array<i32>} : memref<200x64xf32, #tpu.memory_space<vmem>>, vector<1x16xf32>,
        %swap3A_178 = vector.shape_cast %swap3A_177 : vector<1x16xf32> to vector<16xf32>
        %swap3A_179 = vector.shape_cast %mul3A_175 : vector<16xf32> to vector<1x16xf32>
        tpu.vector_store %arg8[%swap3A, %swap3A_176], %swap3A_179 {strides = array<i32>} : memref<200x64xf32, #tpu.memory_space<vmem>>, vector<1x16xf32>,
        %get3A_180 = arith.index_cast %add3A_169 : i32 to index
        %get3A_181 = arith.constant 16 : index
        %get3A_182 = tpu.vector_load %arg8[%get3A_180, %get3A_181] {strides = array<i32>} : memref<200x64xf32, #tpu.memory_space<vmem>>, vector<1x16xf32>,
        %get3A_183 = vector.shape_cast %get3A_182 : vector<1x16xf32> to vector<16xf32>
        %mul3A_184 = arith.constant 8.000000e+00 : f32
        %mul3A_185 = vector.broadcast %mul3A_184 : f32 to vector<16xf32>
        %mul3A_186 = arith.mulf %get3A_183, %mul3A_185 : vector<16xf32>
        %swap3A_187 = arith.index_cast %add3A_169 : i32 to index
        %swap3A_188 = arith.constant 16 : index
        %swap3A_189 = tpu.vector_load %arg8[%swap3A_187, %swap3A_188] {strides = array<i32>} : memref<200x64xf32, #tpu.memory_space<vmem>>, vector<1x16xf32>,
        %swap3A_190 = vector.shape_cast %swap3A_189 : vector<1x16xf32> to vector<16xf32>
        %swap3A_191 = vector.shape_cast %mul3A_186 : vector<16xf32> to vector<1x16xf32>
        tpu.vector_store %arg8[%swap3A_187, %swap3A_188], %swap3A_191 {strides = array<i32>} : memref<200x64xf32, #tpu.memory_space<vmem>>, vector<1x16xf32>,
        %get3A_192 = arith.index_cast %add3A_169 : i32 to index
        %get3A_193 = arith.constant 32 : index
        %get3A_194 = tpu.vector_load %arg8[%get3A_192, %get3A_193] {strides = array<i32>} : memref<200x64xf32, #tpu.memory_space<vmem>>, vector<1x16xf32>,
        %get3A_195 = vector.shape_cast %get3A_194 : vector<1x16xf32> to vector<16xf32>
        %mul3A_196 = arith.constant 8.000000e+00 : f32
        %mul3A_197 = vector.broadcast %mul3A_196 : f32 to vector<16xf32>
        %mul3A_198 = arith.mulf %get3A_195, %mul3A_197 : vector<16xf32>
        %swap3A_199 = arith.index_cast %add3A_169 : i32 to index
        %swap3A_200 = arith.constant 32 : index
        %swap3A_201 = tpu.vector_load %arg8[%swap3A_199, %swap3A_200] {strides = array<i32>} : memref<200x64xf32, #tpu.memory_space<vmem>>, vector<1x16xf32>,
        %swap3A_202 = vector.shape_cast %swap3A_201 : vector<1x16xf32> to vector<16xf32>
        %swap3A_203 = vector.shape_cast %mul3A_198 : vector<16xf32> to vector<1x16xf32>
        tpu.vector_store %arg8[%swap3A_199, %swap3A_200], %swap3A_203 {strides = array<i32>} : memref<200x64xf32, #tpu.memory_space<vmem>>, vector<1x16xf32>,
        %get3A_204 = arith.index_cast %add3A_169 : i32 to index
        %get3A_205 = arith.constant 48 : index
        %get3A_206 = tpu.vector_load %arg8[%get3A_204, %get3A_205] {strides = array<i32>} : memref<200x64xf32, #tpu.memory_space<vmem>>, vector<1x16xf32>,
        %get3A_207 = vector.shape_cast %get3A_206 : vector<1x16xf32> to vector<16xf32>
        %mul3A_208 = arith.constant 8.000000e+00 : f32
        %mul3A_209 = vector.broadcast %mul3A_208 : f32 to vector<16xf32>
        %mul3A_210 = arith.mulf %get3A_207, %mul3A_209 : vector<16xf32>
        %swap3A_211 = arith.index_cast %add3A_169 : i32 to index
        %swap3A_212 = arith.constant 48 : index
        %swap3A_213 = tpu.vector_load %arg8[%swap3A_211, %swap3A_212] {strides = array<i32>} : memref<200x64xf32, #tpu.memory_space<vmem>>, vector<1x16xf32>,
        %swap3A_214 = vector.shape_cast %swap3A_213 : vector<1x16xf32> to vector<16xf32>
        %swap3A_215 = vector.shape_cast %mul3A_210 : vector<16xf32> to vector<1x16xf32>
        tpu.vector_store %arg8[%swap3A_211, %swap3A_212], %swap3A_215 {strides = array<i32>} : memref<200x64xf32, #tpu.memory_space<vmem>>, vector<1x16xf32>,
        %scan3A_216 = arith.constant 1 : i32
        %scan3A_217 = arith.addi %scan3A_165, %scan3A_216 : i32
        %mul3A_218 = arith.constant 1 : i32
        %mul3A_219 = arith.muli %scan3A_217, %mul3A_218 : i32
        %add3A_220 = arith.constant 0 : i32
        %add3A_221 = arith.addi %add3A_220, %mul3A_219 : i32
        %get3A_222 = arith.index_cast %add3A_221 : i32 to index
        %get3A_223 = arith.constant 0 : index
        %get3A_224 = tpu.vector_load %arg8[%get3A_222, %get3A_223] {strides = array<i32>} : memref<200x64xf32, #tpu.memory_space<vmem>>, vector<1x16xf32>,
        %get3A_225 = vector.shape_cast %get3A_224 : vector<1x16xf32> to vector<16xf32>
        %mul3A_226 = arith.constant 8.000000e+00 : f32
        %mul3A_227 = vector.broadcast %mul3A_226 : f32 to vector<16xf32>
        %mul3A_228 = arith.mulf %get3A_225, %mul3A_227 : vector<16xf32>
        %swap3A_229 = arith.index_cast %add3A_221 : i32 to index
        %swap3A_230 = arith.constant 0 : index
        %swap3A_231 = tpu.vector_load %arg8[%swap3A_229, %swap3A_230] {strides = array<i32>} : memref<200x64xf32, #tpu.memory_space<vmem>>, vector<1x16xf32>,
        %swap3A_232 = vector.shape_cast %swap3A_231 : vector<1x16xf32> to vector<16xf32>
        %swap3A_233 = vector.shape_cast %mul3A_228 : vector<16xf32> to vector<1x16xf32>
        tpu.vector_store %arg8[%swap3A_229, %swap3A_230], %swap3A_233 {strides = array<i32>} : memref<200x64xf32, #tpu.memory_space<vmem>>, vector<1x16xf32>,
        %get3A_234 = arith.index_cast %add3A_221 : i32 to index
        %get3A_235 = arith.constant 16 : index
        %get3A_236 = tpu.vector_load %arg8[%get3A_234, %get3A_235] {strides = array<i32>} : memref<200x64xf32, #tpu.memory_space<vmem>>, vector<1x16xf32>,
        %get3A_237 = vector.shape_cast %get3A_236 : vector<1x16xf32> to vector<16xf32>
        %mul3A_238 = arith.constant 8.000000e+00 : f32
        %mul3A_239 = vector.broadcast %mul3A_238 : f32 to vector<16xf32>
        %mul3A_240 = arith.mulf %get3A_237, %mul3A_239 : vector<16xf32>
        %swap3A_241 = arith.index_cast %add3A_221 : i32 to index
        %swap3A_242 = arith.constant 16 : index
        %swap3A_243 = tpu.vector_load %arg8[%swap3A_241, %swap3A_242] {strides = array<i32>} : memref<200x64xf32, #tpu.memory_space<vmem>>, vector<1x16xf32>,
        %swap3A_244 = vector.shape_cast %swap3A_243 : vector<1x16xf32> to vector<16xf32>
        %swap3A_245 = vector.shape_cast %mul3A_240 : vector<16xf32> to vector<1x16xf32>
        tpu.vector_store %arg8[%swap3A_241, %swap3A_242], %swap3A_245 {strides = array<i32>} : memref<200x64xf32, #tpu.memory_space<vmem>>, vector<1x16xf32>,
        %get3A_246 = arith.index_cast %add3A_221 : i32 to index
        %get3A_247 = arith.constant 32 : index
        %get3A_248 = tpu.vector_load %arg8[%get3A_246, %get3A_247] {strides = array<i32>} : memref<200x64xf32, #tpu.memory_space<vmem>>, vector<1x16xf32>,
        %get3A_249 = vector.shape_cast %get3A_248 : vector<1x16xf32> to vector<16xf32>
        %mul3A_250 = arith.constant 8.000000e+00 : f32
        %mul3A_251 = vector.broadcast %mul3A_250 : f32 to vector<16xf32>
        %mul3A_252 = arith.mulf %get3A_249, %mul3A_251 : vector<16xf32>
        %swap3A_253 = arith.index_cast %add3A_221 : i32 to index
        %swap3A_254 = arith.constant 32 : index
        %swap3A_255 = tpu.vector_load %arg8[%swap3A_253, %swap3A_254] {strides = array<i32>} : memref<200x64xf32, #tpu.memory_space<vmem>>, vector<1x16xf32>,
        %swap3A_256 = vector.shape_cast %swap3A_255 : vector<1x16xf32> to vector<16xf32>
        %swap3A_257 = vector.shape_cast %mul3A_252 : vector<16xf32> to vector<1x16xf32>
        tpu.vector_store %arg8[%swap3A_253, %swap3A_254], %swap3A_257 {strides = array<i32>} : memref<200x64xf32, #tpu.memory_space<vmem>>, vector<1x16xf32>,
        %get3A_258 = arith.index_cast %add3A_221 : i32 to index
        %get3A_259 = arith.constant 48 : index
        %get3A_260 = tpu.vector_load %arg8[%get3A_258, %get3A_259] {strides = array<i32>} : memref<200x64xf32, #tpu.memory_space<vmem>>, vector<1x16xf32>,
        %get3A_261 = vector.shape_cast %get3A_260 : vector<1x16xf32> to vector<16xf32>
        %mul3A_262 = arith.constant 8.000000e+00 : f32
        %mul3A_263 = vector.broadcast %mul3A_262 : f32 to vector<16xf32>
        %mul3A_264 = arith.mulf %get3A_261, %mul3A_263 : vector<16xf32>
        %swap3A_265 = arith.index_cast %add3A_221 : i32 to index
        %swap3A_266 = arith.constant 48 : index
        %swap3A_267 = tpu.vector_load %arg8[%swap3A_265, %swap3A_266] {strides = array<i32>} : memref<200x64xf32, #tpu.memory_space<vmem>>, vector<1x16xf32>,
        %swap3A_268 = vector.shape_cast %swap3A_267 : vector<1x16xf32> to vector<16xf32>
        %swap3A_269 = vector.shape_cast %mul3A_264 : vector<16xf32> to vector<1x16xf32>
        tpu.vector_store %arg8[%swap3A_265, %swap3A_266], %swap3A_269 {strides = array<i32>} : memref<200x64xf32, #tpu.memory_space<vmem>>, vector<1x16xf32>,
        %scan3A_270 = arith.constant 2 : i32
        %scan3A_271 = arith.addi %scan3A_165, %scan3A_270 : i32
        %mul3A_272 = arith.constant 1 : i32
        %mul3A_273 = arith.muli %scan3A_271, %mul3A_272 : i32
        %add3A_274 = arith.constant 0 : i32
        %add3A_275 = arith.addi %add3A_274, %mul3A_273 : i32
        %get3A_276 = arith.index_cast %add3A_275 : i32 to index
        %get3A_277 = arith.constant 0 : index
        %get3A_278 = tpu.vector_load %arg8[%get3A_276, %get3A_277] {strides = array<i32>} : memref<200x64xf32, #tpu.memory_space<vmem>>, vector<1x16xf32>,
        %get3A_279 = vector.shape_cast %get3A_278 : vector<1x16xf32> to vector<16xf32>
        %mul3A_280 = arith.constant 8.000000e+00 : f32
        %mul3A_281 = vector.broadcast %mul3A_280 : f32 to vector<16xf32>
        %mul3A_282 = arith.mulf %get3A_279, %mul3A_281 : vector<16xf32>
        %swap3A_283 = arith.index_cast %add3A_275 : i32 to index
        %swap3A_284 = arith.constant 0 : index
        %swap3A_285 = tpu.vector_load %arg8[%swap3A_283, %swap3A_284] {strides = array<i32>} : memref<200x64xf32, #tpu.memory_space<vmem>>, vector<1x16xf32>,
        %swap3A_286 = vector.shape_cast %swap3A_285 : vector<1x16xf32> to vector<16xf32>
        %swap3A_287 = vector.shape_cast %mul3A_282 : vector<16xf32> to vector<1x16xf32>
        tpu.vector_store %arg8[%swap3A_283, %swap3A_284], %swap3A_287 {strides = array<i32>} : memref<200x64xf32, #tpu.memory_space<vmem>>, vector<1x16xf32>,
        %get3A_288 = arith.index_cast %add3A_275 : i32 to index
        %get3A_289 = arith.constant 16 : index
        %get3A_290 = tpu.vector_load %arg8[%get3A_288, %get3A_289] {strides = array<i32>} : memref<200x64xf32, #tpu.memory_space<vmem>>, vector<1x16xf32>,
        %get3A_291 = vector.shape_cast %get3A_290 : vector<1x16xf32> to vector<16xf32>
        %mul3A_292 = arith.constant 8.000000e+00 : f32
        %mul3A_293 = vector.broadcast %mul3A_292 : f32 to vector<16xf32>
        %mul3A_294 = arith.mulf %get3A_291, %mul3A_293 : vector<16xf32>
        %swap3A_295 = arith.index_cast %add3A_275 : i32 to index
        %swap3A_296 = arith.constant 16 : index
        %swap3A_297 = tpu.vector_load %arg8[%swap3A_295, %swap3A_296] {strides = array<i32>} : memref<200x64xf32, #tpu.memory_space<vmem>>, vector<1x16xf32>,
        %swap3A_298 = vector.shape_cast %swap3A_297 : vector<1x16xf32> to vector<16xf32>
        %swap3A_299 = vector.shape_cast %mul3A_294 : vector<16xf32> to vector<1x16xf32>
        tpu.vector_store %arg8[%swap3A_295, %swap3A_296], %swap3A_299 {strides = array<i32>} : memref<200x64xf32, #tpu.memory_space<vmem>>, vector<1x16xf32>,
        %get3A_300 = arith.index_cast %add3A_275 : i32 to index
        %get3A_301 = arith.constant 32 : index
        %get3A_302 = tpu.vector_load %arg8[%get3A_300, %get3A_301] {strides = array<i32>} : memref<200x64xf32, #tpu.memory_space<vmem>>, vector<1x16xf32>,
        %get3A_303 = vector.shape_cast %get3A_302 : vector<1x16xf32> to vector<16xf32>
        %mul3A_304 = arith.constant 8.000000e+00 : f32
        %mul3A_305 = vector.broadcast %mul3A_304 : f32 to vector<16xf32>
        %mul3A_306 = arith.mulf %get3A_303, %mul3A_305 : vector<16xf32>
        %swap3A_307 = arith.index_cast %add3A_275 : i32 to index
        %swap3A_308 = arith.constant 32 : index
        %swap3A_309 = tpu.vector_load %arg8[%swap3A_307, %swap3A_308] {strides = array<i32>} : memref<200x64xf32, #tpu.memory_space<vmem>>, vector<1x16xf32>,
        %swap3A_310 = vector.shape_cast %swap3A_309 : vector<1x16xf32> to vector<16xf32>
        %swap3A_311 = vector.shape_cast %mul3A_306 : vector<16xf32> to vector<1x16xf32>
        tpu.vector_store %arg8[%swap3A_307, %swap3A_308], %swap3A_311 {strides = array<i32>} : memref<200x64xf32, #tpu.memory_space<vmem>>, vector<1x16xf32>,
        %get3A_312 = arith.index_cast %add3A_275 : i32 to index
        %get3A_313 = arith.constant 48 : index
        %get3A_314 = tpu.vector_load %arg8[%get3A_312, %get3A_313] {strides = array<i32>} : memref<200x64xf32, #tpu.memory_space<vmem>>, vector<1x16xf32>,
        %get3A_315 = vector.shape_cast %get3A_314 : vector<1x16xf32> to vector<16xf32>
        %mul3A_316 = arith.constant 8.000000e+00 : f32
        %mul3A_317 = vector.broadcast %mul3A_316 : f32 to vector<16xf32>
        %mul3A_318 = arith.mulf %get3A_315, %mul3A_317 : vector<16xf32>
        %swap3A_319 = arith.index_cast %add3A_275 : i32 to index
        %swap3A_320 = arith.constant 48 : index
        %swap3A_321 = tpu.vector_load %arg8[%swap3A_319, %swap3A_320] {strides = array<i32>} : memref<200x64xf32, #tpu.memory_space<vmem>>, vector<1x16xf32>,
        %swap3A_322 = vector.shape_cast %swap3A_321 : vector<1x16xf32> to vector<16xf32>
        %swap3A_323 = vector.shape_cast %mul3A_318 : vector<16xf32> to vector<1x16xf32>
        tpu.vector_store %arg8[%swap3A_319, %swap3A_320], %swap3A_323 {strides = array<i32>} : memref<200x64xf32, #tpu.memory_space<vmem>>, vector<1x16xf32>,
        %scan3A_324 = arith.constant 3 : i32
        %scan3A_325 = arith.addi %scan3A_165, %scan3A_324 : i32
        %mul3A_326 = arith.constant 1 : i32
        %mul3A_327 = arith.muli %scan3A_325, %mul3A_326 : i32
        %add3A_328 = arith.constant 0 : i32
        %add3A_329 = arith.addi %add3A_328, %mul3A_327 : i32
        %get3A_330 = arith.index_cast %add3A_329 : i32 to index
        %get3A_331 = arith.constant 0 : index
        %get3A_332 = tpu.vector_load %arg8[%get3A_330, %get3A_331] {strides = array<i32>} : memref<200x64xf32, #tpu.memory_space<vmem>>, vector<1x16xf32>,
        %get3A_333 = vector.shape_cast %get3A_332 : vector<1x16xf32> to vector<16xf32>
        %mul3A_334 = arith.constant 8.000000e+00 : f32
        %mul3A_335 = vector.broadcast %mul3A_334 : f32 to vector<16xf32>
        %mul3A_336 = arith.mulf %get3A_333, %mul3A_335 : vector<16xf32>
        %swap3A_337 = arith.index_cast %add3A_329 : i32 to index
        %swap3A_338 = arith.constant 0 : index
        %swap3A_339 = tpu.vector_load %arg8[%swap3A_337, %swap3A_338] {strides = array<i32>} : memref<200x64xf32, #tpu.memory_space<vmem>>, vector<1x16xf32>,
        %swap3A_340 = vector.shape_cast %swap3A_339 : vector<1x16xf32> to vector<16xf32>
        %swap3A_341 = vector.shape_cast %mul3A_336 : vector<16xf32> to vector<1x16xf32>
        tpu.vector_store %arg8[%swap3A_337, %swap3A_338], %swap3A_341 {strides = array<i32>} : memref<200x64xf32, #tpu.memory_space<vmem>>, vector<1x16xf32>,
        %get3A_342 = arith.index_cast %add3A_329 : i32 to index
        %get3A_343 = arith.constant 16 : index
        %get3A_344 = tpu.vector_load %arg8[%get3A_342, %get3A_343] {strides = array<i32>} : memref<200x64xf32, #tpu.memory_space<vmem>>, vector<1x16xf32>,
        %get3A_345 = vector.shape_cast %get3A_344 : vector<1x16xf32> to vector<16xf32>
        %mul3A_346 = arith.constant 8.000000e+00 : f32
        %mul3A_347 = vector.broadcast %mul3A_346 : f32 to vector<16xf32>
        %mul3A_348 = arith.mulf %get3A_345, %mul3A_347 : vector<16xf32>
        %swap3A_349 = arith.index_cast %add3A_329 : i32 to index
        %swap3A_350 = arith.constant 16 : index
        %swap3A_351 = tpu.vector_load %arg8[%swap3A_349, %swap3A_350] {strides = array<i32>} : memref<200x64xf32, #tpu.memory_space<vmem>>, vector<1x16xf32>,
        %swap3A_352 = vector.shape_cast %swap3A_351 : vector<1x16xf32> to vector<16xf32>
        %swap3A_353 = vector.shape_cast %mul3A_348 : vector<16xf32> to vector<1x16xf32>
        tpu.vector_store %arg8[%swap3A_349, %swap3A_350], %swap3A_353 {strides = array<i32>} : memref<200x64xf32, #tpu.memory_space<vmem>>, vector<1x16xf32>,
        %get3A_354 = arith.index_cast %add3A_329 : i32 to index
        %get3A_355 = arith.constant 32 : index
        %get3A_356 = tpu.vector_load %arg8[%get3A_354, %get3A_355] {strides = array<i32>} : memref<200x64xf32, #tpu.memory_space<vmem>>, vector<1x16xf32>,
        %get3A_357 = vector.shape_cast %get3A_356 : vector<1x16xf32> to vector<16xf32>
        %mul3A_358 = arith.constant 8.000000e+00 : f32
        %mul3A_359 = vector.broadcast %mul3A_358 : f32 to vector<16xf32>
        %mul3A_360 = arith.mulf %get3A_357, %mul3A_359 : vector<16xf32>
        %swap3A_361 = arith.index_cast %add3A_329 : i32 to index
        %swap3A_362 = arith.constant 32 : index
        %swap3A_363 = tpu.vector_load %arg8[%swap3A_361, %swap3A_362] {strides = array<i32>} : memref<200x64xf32, #tpu.memory_space<vmem>>, vector<1x16xf32>,
        %swap3A_364 = vector.shape_cast %swap3A_363 : vector<1x16xf32> to vector<16xf32>
        %swap3A_365 = vector.shape_cast %mul3A_360 : vector<16xf32> to vector<1x16xf32>
        tpu.vector_store %arg8[%swap3A_361, %swap3A_362], %swap3A_365 {strides = array<i32>} : memref<200x64xf32, #tpu.memory_space<vmem>>, vector<1x16xf32>,
        %get3A_366 = arith.index_cast %add3A_329 : i32 to index
        %get3A_367 = arith.constant 48 : index
        %get3A_368 = tpu.vector_load %arg8[%get3A_366, %get3A_367] {strides = array<i32>} : memref<200x64xf32, #tpu.memory_space<vmem>>, vector<1x16xf32>,
        %get3A_369 = vector.shape_cast %get3A_368 : vector<1x16xf32> to vector<16xf32>
        %mul3A_370 = arith.constant 8.000000e+00 : f32
        %mul3A_371 = vector.broadcast %mul3A_370 : f32 to vector<16xf32>
        %mul3A_372 = arith.mulf %get3A_369, %mul3A_371 : vector<16xf32>
        %swap3A_373 = arith.index_cast %add3A_329 : i32 to index
        %swap3A_374 = arith.constant 48 : index
        %swap3A_375 = tpu.vector_load %arg8[%swap3A_373, %swap3A_374] {strides = array<i32>} : memref<200x64xf32, #tpu.memory_space<vmem>>, vector<1x16xf32>,
        %swap3A_376 = vector.shape_cast %swap3A_375 : vector<1x16xf32> to vector<16xf32>
        %swap3A_377 = vector.shape_cast %mul3A_372 : vector<16xf32> to vector<1x16xf32>
        tpu.vector_store %arg8[%swap3A_373, %swap3A_374], %swap3A_377 {strides = array<i32>} : memref<200x64xf32, #tpu.memory_space<vmem>>, vector<1x16xf32>,
      }
      %scan3A_155 = arith.constant 200 : i32
      %add3A_156 = arith.addi %mul3A_2, %add3A_137 : i32
      %dma_start3A_157 = arith.constant 0 : i32
      %dma_start3A_158 = arith.constant 0 : i32
      %dma_start3A_159 = tpu.memref_slice %arg4[%add3A_156, %dma_start3A_157, %dma_start3A_158] : memref<1024x200x64xf32, #tpu.memory_space<hbm>> -> memref<1x200x64xf32, #tpu.memory_space<hbm>>
      %dma_start3A_160 = tpu.memref_squeeze %dma_start3A_159 : memref<1x200x64xf32, #tpu.memory_space<hbm>> -> memref<200x64xf32, #tpu.memory_space<hbm>>
      %dma_start3A_161 = arith.constant 0 : i32
      %dma_start3A_162 = arith.constant 0 : i32
      %dma_start3A_163 = tpu.memref_slice %arg4[%add3A_156, %dma_start3A_161, %dma_start3A_162] : memref<1024x200x64xf32, #tpu.memory_space<hbm>> -> memref<1x200x64xf32, #tpu.memory_space<hbm>>
      %dma_start3A_164 = tpu.memref_squeeze %dma_start3A_163 : memref<1x200x64xf32, #tpu.memory_space<hbm>> -> memref<200x64xf32, #tpu.memory_space<hbm>>
      tpu.enqueue_dma source(%arg8 : memref<200x64xf32, #tpu.memory_space<vmem>>) target(%dma_start3A_164 : memref<200x64xf32, #tpu.memory_space<hbm>>) target_semaphore(%arg17 : memref<!tpu.dma_semaphore, #tpu.memory_space<semaphore_mem>>)
    }
    %scan3A_19 = arith.constant 8 : i32
    %add3A_20 = arith.constant 30 : i32
    %add3A_21 = arith.addi %mul3A_2, %add3A_20 : i32
    %dma_wait3A = arith.constant 0 : i32
    %dma_wait3A_22 = arith.constant 0 : i32
    %dma_wait3A_23 = tpu.memref_slice %arg4[%add3A_21, %dma_wait3A, %dma_wait3A_22] : memref<1024x200x64xf32, #tpu.memory_space<hbm>> -> memref<1x200x64xf32, #tpu.memory_space<hbm>>
    %dma_wait3A_24 = tpu.memref_squeeze %dma_wait3A_23 : memref<1x200x64xf32, #tpu.memory_space<hbm>> -> memref<200x64xf32, #tpu.memory_space<hbm>>
    %dma_wait3A_25 = arith.constant 0 : i32
    %dma_wait3A_26 = arith.constant 0 : i32
    %dma_wait3A_27 = tpu.memref_slice %arg4[%add3A_21, %dma_wait3A_25, %dma_wait3A_26] : memref<1024x200x64xf32, #tpu.memory_space<hbm>> -> memref<1x200x64xf32, #tpu.memory_space<hbm>>
    %dma_wait3A_28 = tpu.memref_squeeze %dma_wait3A_27 : memref<1x200x64xf32, #tpu.memory_space<hbm>> -> memref<200x64xf32, #tpu.memory_space<hbm>>
    tpu.wait_dma2 semaphore(%arg16 : memref<!tpu.dma_semaphore, #tpu.memory_space<semaphore_mem>>) src(%arg7 : memref<200x64xf32, #tpu.memory_space<vmem>>) dst(%dma_wait3A_28 : memref<200x64xf32, #tpu.memory_space<hbm>>)
    %add3A_29 = arith.constant 31 : i32
    %add3A_30 = arith.addi %mul3A_2, %add3A_29 : i32
    %dma_wait3A_31 = arith.constant 0 : i32
    %dma_wait3A_32 = arith.constant 0 : i32
    %dma_wait3A_33 = tpu.memref_slice %arg4[%add3A_30, %dma_wait3A_31, %dma_wait3A_32] : memref<1024x200x64xf32, #tpu.memory_space<hbm>> -> memref<1x200x64xf32, #tpu.memory_space<hbm>>
    %dma_wait3A_34 = tpu.memref_squeeze %dma_wait3A_33 : memref<1x200x64xf32, #tpu.memory_space<hbm>> -> memref<200x64xf32, #tpu.memory_space<hbm>>
    %dma_wait3A_35 = arith.constant 0 : i32
    %dma_wait3A_36 = arith.constant 0 : i32
    %dma_wait3A_37 = tpu.memref_slice %arg4[%add3A_30, %dma_wait3A_35, %dma_wait3A_36] : memref<1024x200x64xf32, #tpu.memory_space<hbm>> -> memref<1x200x64xf32, #tpu.memory_space<hbm>>
    %dma_wait3A_38 = tpu.memref_squeeze %dma_wait3A_37 : memref<1x200x64xf32, #tpu.memory_space<hbm>> -> memref<200x64xf32, #tpu.memory_space<hbm>>
    tpu.wait_dma2 semaphore(%arg17 : memref<!tpu.dma_semaphore, #tpu.memory_space<semaphore_mem>>) src(%arg8 : memref<200x64xf32, #tpu.memory_space<vmem>>) dst(%dma_wait3A_38 : memref<200x64xf32, #tpu.memory_space<hbm>>)
    return
  }
}

</mosaic_0001>

<sc_bundles>
// kernel: kernel.3.cloned.1.call-start
scs
__scs_entry_jumppad:
0x0: {  	(pc) =	sbr.rel $0x88, $3  }
0x1: {  	(tag) =	ssettag $0x0;
	lr =	simm.s32 $0x1  }
0x2: {  	[smem:$0x3F9F] =	sst lr;
	_ =	strace $0xD0000000  }
0x3: {  	_ = 	snop  }
0x4: {  	_ = 	snop  }
0x5: {  	_ = 	snop  }
0x6: {  	_ = 	snop  }
0x7: {  	_ = 	snop  }
__scs_overlays_trampoline_lowered:
0x8: {  	[smem:$0x3FAE] =	sst s0  }
0x9: {  	[smem:$0x3FAF] =	sst s1  }
0xa: {  	[smem:$0x3FB0] =	sst s2  }
0xb: {  	[smem:$0x3FB1] =	sst s3  }
0xc: {  	[smem:$0x3FB2] =	sst s4  }
0xd: {  	[smem:$0x3FB3] =	sst s5  }
0xe: {  	[smem:$0x3FB4] =	sst s6  }
0xf: {  	[smem:$0x3FB5] =	sst s7  }
0x10: {  	[smem:$0x3FB6] =	sst s8  }
0x11: {  	[smem:$0x3FB7] =	sst s9;
	s0 =	simm.s32 @!p0 $0x0  }
0x12: {  	s1 =	sld [smem:$0x3F9D];
	s0 =	simm.s32 @p0 $0x1  }
0x13: {  	[smem:$0x3FB8] =	sst s0;
	s0 =	simm.s32 @!p1 $0x0  }
0x14: {  	s2 =	sld [smem:$0x3F9C];
	s0 =	simm.s32 @p1 $0x1  }
0x15: {  	[smem:$0x3FB9] =	sst s0;
	s0 =	simm.s32 @!p2 $0x0  }
0x16: {  	s3 =	sld [smem:$0x3FDB];
	s0 =	simm.s32 @p2 $0x1  }
0x17: {  	s4 =	simm.s32 $0x1BF5;
	[smem:$0x3FBB] =	sst s0  }
0x18: {  	s0 =	sld [smem:$0x3F9E];
	_ =	swait.ge [sflag:s4], $0x0  }
0x19: {  	s7 =	sld [smem:$0x3F9F]  }
0x1a: {  	s8 =	sadd.s32 $0xFFFFE003, lr  }
0x1b: {  	s9 =	sadd.s32 $0xFFFFFEF7, lr;
	s5 =	simm.s32 $0xFFFFFFFF;
	p2 =	slt.u32 s8, $0xFFFFF086  }
0x1c: {  	p1 =	slt.u32 s9, $0xF7A;
	s5 =	simm.s32 @!p2 $0x0  }
0x1d: {  	s5 =	simm.s32 @p1 $0x1;
	p0 =	seq.s32 s7, s2  }
0x1e: {  	s7 =	smul.u32 @!p0 $0xF7A, s2;
	p2 =	seq.s32 @!p0 s5, $0x0  }
0x1f: {  	s9 =	smul.u32 $0xF7A, s1;
	s8 =	simm.s32 @!p0 $0x1BF5;
	p2 =	por !p2, p0  }
0x20: {  	[sflag:s8] =	ssyncset.s32 @!p0 $0xFFFFF086;
	s6 =	sadd.s32 @!p0 s3, s7;
	s7 =	simm.s32 @!p0 $0x108  }
0x21: {  	s3 =	sadd.s32 s3, s9;
	s6 =	sadd.s32 @!p0 $0x88, s6;
	s7 =	simm.s32 @p2 $0x1082  }
0x22: {  	[simem:s7], [sflag:s8] =	dma.local @!p0 [hbm:s6], $0xF7A  }
0x23: {  	s9 =	sor.u32 $0xD0000000, s2;
	s6 =	simm.s32 $0x108;
	_ =	swait.ge @!p0 [sflag:s8], $0x0  }
0x24: {  	s3 =	sadd.s32 $0x88, s3;
	s6 =	simm.s32 @!p1 $0x1082;
	[sflag:s4] =	ssyncset.s32 $0xFFFFF086  }
0x25: {  	[simem:s6], [sflag:s4] =	dma.local [hbm:s3], $0xF7A  }
0x26: {  	[smem:$0x3F9F] =	sst s1;
	(tag) =	ssettag s2;
	_ =	strace s9  }
0x27: {  	s1 =	sld [smem:$0x3FAF]  }
0x28: {  	s2 =	sld [smem:$0x3FB0]  }
0x29: {  	s4 =	sld [smem:$0x3FB2]  }
0x2a: {  	p0 =	seq.s32 s5, $0x0;
	s5 =	sld [smem:$0x3FB3]  }
0x2b: {  	s6 =	sld [smem:$0x3FB4]  }
0x2c: {  	s7 =	sld [smem:$0x3FB5]  }
0x2d: {  	s3 =	simm.s32 $0x108;
	s8 =	sld [smem:$0x3FB6]  }
0x2e: {  	s3 =	simm.s32 @!p0 $0x1082;
	s9 =	sld [smem:$0x3FB7]  }
0x2f: {  	lr =	sadd.s32 s0, s3;
	s0 =	sld [smem:$0x3FAE]  }
0x30: {  	s3 =	sld [smem:$0x3FB1]  }
0x31: {  	[smem:$0x3FBA] =	sst s10  }
0x32: {  	s10 =	sld [smem:$0x3FB8];
	_ =	sdelay $0x3  }
0x33: {  	p0 =	seq.s32 s10, $0x1;
	s10 =	sld [smem:$0x3FBA];
	_ =	sdelay $0x3  }
0x34: {  	[smem:$0x3FBA] =	sst s10  }
0x35: {  	s10 =	sld [smem:$0x3FB9];
	_ =	sdelay $0x3  }
0x36: {  	p1 =	seq.s32 s10, $0x1;
	s10 =	sld [smem:$0x3FBA];
	_ =	sdelay $0x3  }
0x37: {  	[smem:$0x3FBA] =	sst s10  }
0x38: {  	s10 =	sld [smem:$0x3FBB]  }
0x39: {  	_ = 	snop;
	(pc) =	sbr.ind lr, $3  }
0x3a: {  	_ = 	snop  }
0x3b: {  	_ = 	snop  }
0x3c: {  	p2 =	seq.s32 s10, $0x1;
	s10 =	sld [smem:$0x3FBA]  }
0x3d: {  	_ =	shalt  }
0x3e: {  	_ =	shalt  }
0x3f: {  	_ =	shalt  }
0x40: {  	_ =	shalt  }
0x41: {  	_ =	shalt  }
0x42: {  	_ =	shalt  }
0x43: {  	_ =	shalt  }
0x44: {  	_ =	shalt  }
0x45: {  	_ =	shalt  }
0x46: {  	_ =	shalt  }
0x47: {  	_ =	shalt  }
0x48: {  	_ =	shalt  }
0x49: {  	_ =	shalt  }
0x4a: {  	_ =	shalt  }
0x4b: {  	_ =	shalt  }
0x4c: {  	_ =	shalt  }
0x4d: {  	_ =	shalt  }
0x4e: {  	_ =	shalt  }
0x4f: {  	_ =	shalt  }
0x50: {  	_ =	shalt  }
0x51: {  	_ =	shalt  }
0x52: {  	_ =	shalt  }
0x53: {  	_ =	shalt  }
0x54: {  	_ =	shalt  }
0x55: {  	_ =	shalt  }
0x56: {  	_ =	shalt  }
0x57: {  	_ =	shalt  }
0x58: {  	_ =	shalt  }
0x59: {  	_ =	shalt  }
0x5a: {  	_ =	shalt  }
0x5b: {  	_ =	shalt  }
0x5c: {  	_ =	shalt  }
0x5d: {  	_ =	shalt  }
0x5e: {  	_ =	shalt  }
0x5f: {  	_ =	shalt  }
0x60: {  	_ =	shalt  }
0x61: {  	_ =	shalt  }
0x62: {  	_ =	shalt  }
0x63: {  	_ =	shalt  }
0x64: {  	_ =	shalt  }
0x65: {  	_ =	shalt  }
0x66: {  	_ =	shalt  }
0x67: {  	_ =	shalt  }
0x68: {  	_ =	shalt  }
0x69: {  	_ =	shalt  }
0x6a: {  	_ =	shalt  }
0x6b: {  	_ =	shalt  }
0x6c: {  	_ =	shalt  }
0x6d: {  	_ =	shalt  }
0x6e: {  	_ =	shalt  }
0x6f: {  	_ =	shalt  }
0x70: {  	_ =	shalt  }
0x71: {  	_ =	shalt  }
0x72: {  	_ =	shalt  }
0x73: {  	_ =	shalt  }
0x74: {  	_ =	shalt  }
0x75: {  	_ =	shalt  }
0x76: {  	_ =	shalt  }
0x77: {  	_ =	shalt  }
0x78: {  	_ =	shalt  }
0x79: {  	_ =	shalt  }
0x7a: {  	_ =	shalt  }
0x7b: {  	_ =	shalt  }
0x7c: {  	_ =	shalt  }
0x7d: {  	_ =	shalt  }
0x7e: {  	_ =	shalt  }
0x7f: {  	_ =	shalt  }
0x80: {  	_ =	shalt  }
0x81: {  	_ =	shalt  }
0x82: {  	_ =	shalt  }
0x83: {  	_ =	shalt  }
0x84: {  	_ =	shalt  }
0x85: {  	_ =	shalt  }
0x86: {  	_ =	shalt  }
0x87: {  	_ =	shalt  }
.Lfunc_end0:
.L_simem_size_0:
called_computation.1_lowered:
.L_overlay_start_0:
0x88: {  	s2 =	sld [smem:$0x3FD9]  }
0x89: {  	s3 =	sld [smem:$0x3FFE];
	_ =	sdelay $0x1  }
0x8a: {  	s1 =	srdreg.scid  }
0x8b: {  	s0 =	sand.u32 $0x1, s1  }
0x8c: {  	s17 =	sshll.u32 s0, $0xA;
	s2 =	sadd.s32 s3, s2  }
0x8d: {  	s2 =	sadd.s32 s2, s17  }
0x8e: {  	[smem:$0x3FC6] =	sst s2  }
0x8f: {  	_ = 	snop  }
0x90: {  	s2 =	sld [smem:$0x3FD0];
	(tm) =	ssettm $0x1  }
0x91: {  	s18 =	sld [smem:$0x3FFB];
	_ =	sdelay $0x3  }
0x92: {  	_ =	strace s18  }
0x93: {  	s3 =	sld [smem:$0x3FFC];
	_ =	sdelay $0x3  }
0x94: {  	_ =	strace s3  }
0x95: {  	s3 =	sld [smem:$0x3FFD];
	_ =	sdelay $0x3  }
0x96: {  	_ =	strace s3  }
0x97: {  	_ =	strace $0x8FFFFFFF  }
0x98: {  	s19 =	sld [smem:$0x3FDB];
	_ =	sdelay $0x1  }
0x99: {  	s4 =	simm.s32 $_scs_section_size  }
0x9a: {  	s5 =	simm.s32 $_size__tile_overlayer_lowered;
	s6 =	simm.s32 $_tile_overlayer_lowered  }
0x9b: {  	s22 =	simm.s32 $0x1BFF;
	s21 =	sshll.u32 s6, $0x1;
	s3 =	sadd.s32 s4, s19  }
0x9c: {  	s7 =	simm.s32 $0x0;
	s20 =	sshll.u32 s5, $0x1;
	s5 =	sadd.s32 s21, s3  }
0x9d: {  	[timem:s7], [sflag:s22] =	dma.local [hbm:s5], s20  }
0x9e: {  	_ =	swait.ge [sflag:s22], s20  }
0x9f: {  	s4 =	ssub.s32 $0x0, s20;
	[sflag:s22] =	ssyncset.done $0x0  }
0xa0: {  	[sflag:s22] =	ssyncadd.s32 s4;
	_ =	sdelay $0x1  }
0xa1: {  	s23 =	simm.s32 $0x1B8B  }
0xa2: {  	_ =	swait.ge [sflag:s23], $0x1  }
0xa3: {  	[sflag:s23] =	ssyncset.done $0x0  }
0xa4: {  	s25 =	simm.s32 $0x1B8E;
	s24 =	sld [smem:$0x3FFE];
	[sflag:s23] =	ssyncadd.s32 $0xFFFFFFFF  }
0xa5: {  	s26 =	simm.s32 $execute0_lowered;
	[smem:$0x3FD2] =	sst s25  }
0xa6: {  	s5 =	sshll.u32 s26, $0x1;
	_ =	strace $0x80000046;
	[dreg:$0x1] =	wrdreg $0xFFFFFFFF  }
0xa7: {  	s28 =	simm.s32 $_size_execute0_lowered;
	s3 =	sadd.s32 s3, s5;
	[dreg:$0x0] =	wrdreg $0x0  }
0xa8: {  	s5 =	sshll.u32 s28, $0x1;
	[dreg:$0x2] =	wrdreg s3  }
0xa9: {  	[dreg:$0x3] =	wrdreg s5  }
0xaa: {  	[dreg:$0x4] =	wrdreg $0xC0  }
0xab: {  	_ =	task [dreg:s7], $0x5FFFF  }
0xac: {  	[dreg:$0x1] =	wrdreg $0xFFFFFFFF  }
0xad: {  	[dreg:$0x0] =	wrdreg $0x60  }
0xae: {  	[dreg:$0x2] =	wrdreg s24  }
0xaf: {  	[dreg:$0x3] =	wrdreg s2  }
0xb0: {  	[dreg:$0x4] =	wrdreg $0x9  }
0xb1: {  	_ =	task.clear_ibuf [dreg:s7], $0x5FFFF;
	_ =	strace $0x90000046  }
0xb2: {  	s29 =	simm.s32 $0x9;
	_ =	strace $0x80000048  }
0xb3: {  	_ =	swait.ge [sflag:s29], $0x1  }
0xb4: {  	[sflag:s29] =	ssyncadd.s32 $0xFFFFFFFF  }
0xb5: {  	_ =	strace $0x90000048  }
0xb6: {  	_ =	sfence  }
0xb7: {  	s30 =	sld [smem:$0x0];
	_ =	sdelay $0x2  }
0xb8: {  	s31 =	sshll.u32 s1, $0xD;
	s1 =	sshrl.u32 s1, $0x2  }
0xb9: {  	s3 =	sand.u32 $0x4000, s31;
	s1 =	sadd.s32 s1, s30  }
0xba: {  	s0 =	sor.u32 s3, s0;
	s1 =	sshll.u32 s1, $0x11  }
0xbb: {  	s0 =	sor.u32 s1, s0  }
0xbc: {  	s0 =	sadd.s32 $0x8F2B, s0  }
0xbd: {  	[sflag:s0] =	ssyncadd.remote.s32 $0x1  }
0xbe: {  	_ =	sfence.sel $0xFFFF  }
0xbf: {  	[dreg:$0x0] =	wrdreg $0xFFFFFFFF;
	(pc) =	sbr.abs _section_cstart, $3  }
0xc0: {  	[dreg:$0x1] =	wrdreg $0xFFFFFFFF  }
0xc1: {  	_ =	task.clear_ibuf [dreg:s7], $0x2FFFF;
	_ =	strace $0x9FFFFFFF  }
0xc2: {  	(tm) =	ssettm $0x7FFFFFFF  }
0xc3: {  	_ =	shalt  }
tec
execute0_lowered:
.L_overlay_start_1:
0x0: {  	(tag) =	ssettag $0x1  }
0x1: {  	s1 =	srdreg.scid;
	s6 =	rddreg [dreg:$0x0]  }
0x2: {  	s0 =	stileid.u32;
	s2 =	rddreg [dreg:$0x1]  }
0x3: {  	s4 =	simm.s32 $0x0;
	s10 =	simm.s32 $0xC8;
	s11 =	simm.s32 $0xC8C8  }
0x4: {  	s12 =	simm.s32 $0x3200;
	s13 =	simm.s32 $0x6400;
	s14 =	simm.s32 $0x1  }
0x5: {  	s15 =	simm.s32 $0x9600;
	s16 =	simm.s32 $0x2;
	s17 =	simm.s32 $0x3  }
0x6: {  	s18 =	simm.s32 $0x4;
	s19 =	simm.s32 $0x7;
	s5 =	sand.u32 $0x1, s1  }
0x7: {  	s20 =	simm.s32 $0x8;
	s31 =	sshll.u32 s0, $0x6;
	s3 =	sshll.u32 s5, $0x5  }
0x8: {  	s21 =	simm.s32 $0x0;
	s1 =	rddreg [dreg:$0x2];
	s3 =	sor.u32 s3, s31  }
0x9: {  	[smem:$0x7FF] =	sst s4;
	s8 =	ssub.s32 $0x2, s5;
	s7 =	smul.u32 $0x19, s3  }
0xa: {  	_ =	strace $0x80000047;
	s5 =	sadd.s32 $0xF42E00, s6;
	s9 =	sshrl.u32 s8, $0x1  }
0xb: {  	s8 =	ssub.s32 s8, s9;
	s9 =	simm.s32 $0x9;
	s7 =	sadd.s32 s7, s6  }
0xc: {  	s6 =	sadd.s32 $0xA00, s7;
	s7 =	smax.u32 s8, $0x1;
	s8 =	simm.s32 $0xC800  }
.LBB2_1:
0xd: {  	[tilespmem:s8], [sflag:$0x9] =	stream.linear.gather [hbm4b:s6+s4], $0x1900, $0x38;
	[tilespmem:$0xE100] =	vst v63  }
0xe: {  	_ =	swait.ge [sflag:s9], $0x1900  }
0xf: {  	[sflag:s9] =	ssyncset.done $0x0  }
0x10: {  	[sflag:s9] =	ssyncadd.s32 $0xFFFFE700  }
0x11: {  	[tilespmem:s4], [sflag:$0x1] =	stream.indirect.gather [hbm4b:s5+s10], $0x40, s8, s10, $0xb8;
	[tilespmem:$0xE100] =	vst v63  }
0x12: {  	s22 =	simm.s32 $0x0  }
0x13: {  	[tilespmem:s12], [sflag:$0x2] =	stream.indirect.gather [hbm4b:s5+s10], $0x40, s11, s10, $0xb8;
	[tilespmem:$0xE100] =	vst v63  }
.LBB2_2:
0x14: {  	s25 =	sshll.u32 s22, $0x2  }
0x15: {  	p0 =	seq.s32 s22, $0x0;
	s23 =	sor.u32 $0x2, s25  }
0x16: {  	s24 =	simm.s32 @!p0 $0x7;
	s26 =	smul.u32 $0x320, s23  }
0x17: {  	_ =	swait.ge @!p0 [sflag:s24], $0x3200  }
0x18: {  	[sflag:s24] =	ssyncset.done @!p0 $0x0;
	s26 =	sshra.s32 s26, $0x2  }
0x19: {  	[sflag:s24] =	ssyncadd.s32 @!p0 $0xFFFFCE00;
	s31 =	sadd.s32 $0xC800, s26  }
0x1a: {  	[tilespmem:s13], [sflag:$0x3] =	stream.indirect.gather [hbm4b:s5+s10], $0x40, s31, s10, $0xb8;
	[tilespmem:$0xE100] =	vst v63  }
0x1b: {  	_ =	swait.ge [sflag:s14], $0x3200  }
0x1c: {  	[sflag:s14] =	ssyncset.done $0x0  }
0x1d: {  	s24 =	simm.s32 $0x80;
	[sflag:s14] =	ssyncadd.s32 $0xFFFFCE00  }
0x1e: {  	v0 =	vld [tilespmem:s24+$0xFFFFFF80]  }
0x1f: {  	v1 =	vld [tilespmem:s24+$0xFFFFFF90]  }
0x20: {  	v2 =	vld [tilespmem:s24+$0xFFFFFFA0]  }
0x21: {  	v3 =	vld [tilespmem:s24+$0xFFFFFFB0]  }
0x22: {  	v4 =	vld [tilespmem:s24+$0xFFFFFFC0]  }
0x23: {  	v5 =	vld [tilespmem:s24+$0xFFFFFFD0];
	v0 =	vmul.f32 $8.000000000e+00, v0  }
0x24: {  	v6 =	vld [tilespmem:s24+$0xFFFFFFE0];
	v1 =	vmul.f32 $8.000000000e+00, v1  }
0x25: {  	[tilespmem:s24+$0xFFFFFF80] =	vst v0;
	v0 =	vmul.f32 $8.000000000e+00, v2;
	v2 =	vld [tilespmem:s24+$0x0]  }
0x26: {  	[tilespmem:s24+$0xFFFFFF90] =	vst v1;
	v1 =	vmul.f32 $8.000000000e+00, v3;
	v3 =	vld [tilespmem:s24+$0x10]  }
0x27: {  	[tilespmem:s24+$0xFFFFFFA0] =	vst v0;
	v0 =	vmul.f32 $8.000000000e+00, v4;
	v4 =	vld [tilespmem:s24+$0x20]  }
0x28: {  	v7 =	vld [tilespmem:s24+$0x30];
	[tilespmem:s24+$0xFFFFFFB0] =	vst v1;
	v1 =	vmul.f32 $8.000000000e+00, v5  }
0x29: {  	v5 =	vmul.f32 $8.000000000e+00, v6;
	[tilespmem:s24+$0xFFFFFFC0] =	vst v0;
	v0 =	vld [tilespmem:s24+$0x40]  }
0x2a: {  	[tilespmem:s24+$0xFFFFFFD0] =	vst v1;
	v1 =	vmul.f32 $8.000000000e+00, v2;
	v2 =	vld [tilespmem:s24+$0x50]  }
0x2b: {  	[tilespmem:s24+$0xFFFFFFE0] =	vst v5;
	v6 =	vmul.f32 $8.000000000e+00, v3;
	v3 =	vld [tilespmem:s24+$0x60]  }
0x2c: {  	[tilespmem:s24+$0x0] =	vst v1;
	v5 =	vmul.f32 $8.000000000e+00, v4;
	v4 =	vld [tilespmem:s24+$0x70]  }
0x2d: {  	s28 =	simm.s32 $0x180;
	s26 =	simm.s32 $0x0;
	v1 =	vld [tilespmem:s24+$0xFFFFFFF0];
	[tilespmem:s24+$0x10] =	vst v6;
	v6 =	vmul.f32 $8.000000000e+00, v7  }
.LBB2_3:
0x2e: {  	v7 =	vld [tilespmem:s28+$0xFFFFFF80];
	[tilespmem:s24+$0x20] =	vst v5;
	v0 =	vmul.f32 $8.000000000e+00, v0  }
0x2f: {  	v5 =	vld [tilespmem:s28+$0xFFFFFF90];
	[tilespmem:s24+$0x30] =	vst v6;
	v2 =	vmul.f32 $8.000000000e+00, v2  }
0x30: {  	v6 =	vld [tilespmem:s28+$0xFFFFFFA0];
	[tilespmem:s24+$0x40] =	vst v0;
	v0 =	vmul.f32 $8.000000000e+00, v3  }
0x31: {  	v3 =	vld [tilespmem:s28+$0xFFFFFFB0];
	[tilespmem:s24+$0x50] =	vst v2;
	v2 =	vmul.f32 $8.000000000e+00, v4  }
0x32: {  	v4 =	vld [tilespmem:s28+$0xFFFFFFC0];
	v1 =	vmul.f32 $8.000000000e+00, v1;
	[tilespmem:s24+$0x60] =	vst v0  }
0x33: {  	v0 =	vmul.f32 $8.000000000e+00, v7;
	v7 =	vld [tilespmem:s28+$0xFFFFFFD0];
	[tilespmem:s24+$0x70] =	vst v2  }
0x34: {  	v2 =	vmul.f32 $8.000000000e+00, v5;
	v5 =	vld [tilespmem:s28+$0xFFFFFFE0];
	[tilespmem:s24+$0xFFFFFFF0] =	vst v1;
	s24 =	smov.u32 s28  }
0x35: {  	[tilespmem:s28+$0xFFFFFF80] =	vst v0;
	v0 =	vmul.f32 $8.000000000e+00, v6;
	v1 =	vld [tilespmem:s28+$0x0]  }
0x36: {  	[tilespmem:s28+$0xFFFFFF90] =	vst v2;
	v2 =	vmul.f32 $8.000000000e+00, v3;
	v3 =	vld [tilespmem:s28+$0x10]  }
0x37: {  	s26 =	sadd.s32 $0x4, s26;
	[tilespmem:s28+$0xFFFFFFA0] =	vst v0;
	v0 =	vmul.f32 $8.000000000e+00, v4;
	v4 =	vld [tilespmem:s28+$0x20]  }
0x38: {  	p1 =	slt.u32 s26, $0xC4;
	[tilespmem:s28+$0xFFFFFFB0] =	vst v2;
	v2 =	vmul.f32 $8.000000000e+00, v7;
	v6 =	vld [tilespmem:s28+$0x30]  }
.Ltmp0:
0x39: {  	[tilespmem:s28+$0xFFFFFFC0] =	vst v0;
	v5 =	vmul.f32 $8.000000000e+00, v5;
	v0 =	vld [tilespmem:s28+$0x40];
	(pc) =	sbr.rel @p1 .LBB2_3-.Ltmp0, $4  }
0x3a: {  	[tilespmem:s28+$0xFFFFFFD0] =	vst v2;
	v1 =	vmul.f32 $8.000000000e+00, v1;
	v2 =	vld [tilespmem:s28+$0x50]  }
0x3b: {  	[tilespmem:s28+$0xFFFFFFE0] =	vst v5;
	v7 =	vmul.f32 $8.000000000e+00, v3;
	v3 =	vld [tilespmem:s28+$0x60]  }
0x3c: {  	[tilespmem:s28+$0x0] =	vst v1;
	v5 =	vmul.f32 $8.000000000e+00, v4;
	v4 =	vld [tilespmem:s28+$0x70]  }
0x3d: {  	s28 =	sadd.s32 $0x100, s28;
	v1 =	vld [tilespmem:s24+$0xFFFFFFF0];
	[tilespmem:s24+$0x10] =	vst v7;
	v6 =	vmul.f32 $8.000000000e+00, v6  }
0x3e: {  	[tilespmem:s24+$0x20] =	vst v5;
	v0 =	vmul.f32 $8.000000000e+00, v0  }
0x3f: {  	[tilespmem:s24+$0x30] =	vst v6;
	v2 =	vmul.f32 $8.000000000e+00, v2  }
0x40: {  	[tilespmem:s24+$0x40] =	vst v0;
	v0 =	vmul.f32 $8.000000000e+00, v3  }
0x41: {  	s26 =	sadd.s32 s3, s25;
	[tilespmem:s24+$0x50] =	vst v2;
	v2 =	vmul.f32 $8.000000000e+00, v4  }
0x42: {  	s26 =	smul.u32 $0x640, s26;
	v1 =	vmul.f32 $8.000000000e+00, v1;
	[tilespmem:s24+$0x60] =	vst v0  }
0x43: {  	[tilespmem:s24+$0x70] =	vst v2  }
0x44: {  	s30 =	sadd.s32 s2, s26;
	[tilespmem:s24+$0xFFFFFFF0] =	vst v1;
	s24 =	sor.u32 $0x3, s25  }
0x45: {  	[hbm4b:s30+s4] =	stream.linear.scatter [tilespmem:s4], [sflag:$0x5], $0x3200, $0x38;
	[tilespmem:$0xE100] =	vst v63  }
0x46: {  	s26 =	simm.s32 @!p0 $0x8;
	s28 =	smul.u32 $0x320, s24  }
0x47: {  	_ =	swait.ge @!p0 [sflag:s26], $0x3200  }
0x48: {  	[sflag:s26] =	ssyncset.done @!p0 $0x0;
	s28 =	sshra.s32 s28, $0x2  }
0x49: {  	[sflag:s26] =	ssyncadd.s32 @!p0 $0xFFFFCE00;
	s31 =	sadd.s32 $0xC800, s28  }
0x4a: {  	[tilespmem:s15], [sflag:$0x4] =	stream.indirect.gather [hbm4b:s5+s10], $0x40, s31, s10, $0xb8;
	[tilespmem:$0xE100] =	vst v63  }
0x4b: {  	_ =	swait.ge [sflag:s16], $0x3200  }
0x4c: {  	[sflag:s16] =	ssyncset.done $0x0  }
0x4d: {  	s26 =	simm.s32 $0x3280;
	[sflag:s16] =	ssyncadd.s32 $0xFFFFCE00  }
0x4e: {  	v0 =	vld [tilespmem:s26+$0xFFFFFF80]  }
0x4f: {  	v1 =	vld [tilespmem:s26+$0xFFFFFF90]  }
0x50: {  	v2 =	vld [tilespmem:s26+$0xFFFFFFA0]  }
0x51: {  	v3 =	vld [tilespmem:s26+$0xFFFFFFB0]  }
0x52: {  	v4 =	vld [tilespmem:s26+$0xFFFFFFC0]  }
0x53: {  	v5 =	vld [tilespmem:s26+$0xFFFFFFD0];
	v0 =	vmul.f32 $8.000000000e+00, v0  }
0x54: {  	v6 =	vld [tilespmem:s26+$0xFFFFFFE0];
	v1 =	vmul.f32 $8.000000000e+00, v1  }
0x55: {  	[tilespmem:s26+$0xFFFFFF80] =	vst v0;
	v0 =	vmul.f32 $8.000000000e+00, v2;
	v2 =	vld [tilespmem:s26+$0x0]  }
0x56: {  	[tilespmem:s26+$0xFFFFFF90] =	vst v1;
	v1 =	vmul.f32 $8.000000000e+00, v3;
	v3 =	vld [tilespmem:s26+$0x10]  }
0x57: {  	[tilespmem:s26+$0xFFFFFFA0] =	vst v0;
	v0 =	vmul.f32 $8.000000000e+00, v4;
	v4 =	vld [tilespmem:s26+$0x20]  }
0x58: {  	v7 =	vld [tilespmem:s26+$0x30];
	[tilespmem:s26+$0xFFFFFFB0] =	vst v1;
	v1 =	vmul.f32 $8.000000000e+00, v5  }
0x59: {  	v5 =	vmul.f32 $8.000000000e+00, v6;
	[tilespmem:s26+$0xFFFFFFC0] =	vst v0;
	v0 =	vld [tilespmem:s26+$0x40]  }
0x5a: {  	[tilespmem:s26+$0xFFFFFFD0] =	vst v1;
	v1 =	vmul.f32 $8.000000000e+00, v2;
	v2 =	vld [tilespmem:s26+$0x50]  }
0x5b: {  	[tilespmem:s26+$0xFFFFFFE0] =	vst v5;
	v6 =	vmul.f32 $8.000000000e+00, v3;
	v3 =	vld [tilespmem:s26+$0x60]  }
0x5c: {  	[tilespmem:s26+$0x0] =	vst v1;
	v5 =	vmul.f32 $8.000000000e+00, v4;
	v4 =	vld [tilespmem:s26+$0x70]  }
0x5d: {  	s29 =	simm.s32 $0x3380;
	s25 =	sor.u32 $0x1, s25;
	s28 =	simm.s32 $0x0;
	v1 =	vld [tilespmem:s26+$0xFFFFFFF0];
	[tilespmem:s26+$0x10] =	vst v6;
	v6 =	vmul.f32 $8.000000000e+00, v7  }
.LBB2_5:
0x5e: {  	v7 =	vld [tilespmem:s29+$0xFFFFFF80];
	[tilespmem:s26+$0x20] =	vst v5;
	v0 =	vmul.f32 $8.000000000e+00, v0  }
0x5f: {  	v5 =	vld [tilespmem:s29+$0xFFFFFF90];
	[tilespmem:s26+$0x30] =	vst v6;
	v2 =	vmul.f32 $8.000000000e+00, v2  }
0x60: {  	v6 =	vld [tilespmem:s29+$0xFFFFFFA0];
	[tilespmem:s26+$0x40] =	vst v0;
	v0 =	vmul.f32 $8.000000000e+00, v3  }
0x61: {  	v3 =	vld [tilespmem:s29+$0xFFFFFFB0];
	[tilespmem:s26+$0x50] =	vst v2;
	v2 =	vmul.f32 $8.000000000e+00, v4  }
0x62: {  	v4 =	vld [tilespmem:s29+$0xFFFFFFC0];
	v1 =	vmul.f32 $8.000000000e+00, v1;
	[tilespmem:s26+$0x60] =	vst v0  }
0x63: {  	v0 =	vmul.f32 $8.000000000e+00, v7;
	v7 =	vld [tilespmem:s29+$0xFFFFFFD0];
	[tilespmem:s26+$0x70] =	vst v2  }
0x64: {  	v2 =	vmul.f32 $8.000000000e+00, v5;
	v5 =	vld [tilespmem:s29+$0xFFFFFFE0];
	[tilespmem:s26+$0xFFFFFFF0] =	vst v1;
	s26 =	smov.u32 s29  }
0x65: {  	[tilespmem:s29+$0xFFFFFF80] =	vst v0;
	v0 =	vmul.f32 $8.000000000e+00, v6;
	v1 =	vld [tilespmem:s29+$0x0]  }
0x66: {  	[tilespmem:s29+$0xFFFFFF90] =	vst v2;
	v2 =	vmul.f32 $8.000000000e+00, v3;
	v3 =	vld [tilespmem:s29+$0x10]  }
0x67: {  	s28 =	sadd.s32 $0x4, s28;
	[tilespmem:s29+$0xFFFFFFA0] =	vst v0;
	v0 =	vmul.f32 $8.000000000e+00, v4;
	v4 =	vld [tilespmem:s29+$0x20]  }
0x68: {  	p0 =	slt.u32 s28, $0xC4;
	[tilespmem:s29+$0xFFFFFFB0] =	vst v2;
	v2 =	vmul.f32 $8.000000000e+00, v7;
	v6 =	vld [tilespmem:s29+$0x30]  }
.Ltmp1:
0x69: {  	[tilespmem:s29+$0xFFFFFFC0] =	vst v0;
	v5 =	vmul.f32 $8.000000000e+00, v5;
	v0 =	vld [tilespmem:s29+$0x40];
	(pc) =	sbr.rel @p0 .LBB2_5-.Ltmp1, $4  }
0x6a: {  	[tilespmem:s29+$0xFFFFFFD0] =	vst v2;
	v1 =	vmul.f32 $8.000000000e+00, v1;
	v2 =	vld [tilespmem:s29+$0x50]  }
0x6b: {  	[tilespmem:s29+$0xFFFFFFE0] =	vst v5;
	v7 =	vmul.f32 $8.000000000e+00, v3;
	v3 =	vld [tilespmem:s29+$0x60]  }
0x6c: {  	[tilespmem:s29+$0x0] =	vst v1;
	v5 =	vmul.f32 $8.000000000e+00, v4;
	v4 =	vld [tilespmem:s29+$0x70]  }
0x6d: {  	s29 =	sadd.s32 $0x100, s29;
	v1 =	vld [tilespmem:s26+$0xFFFFFFF0];
	[tilespmem:s26+$0x10] =	vst v7;
	v6 =	vmul.f32 $8.000000000e+00, v6  }
0x6e: {  	[tilespmem:s26+$0x20] =	vst v5;
	v0 =	vmul.f32 $8.000000000e+00, v0  }
0x6f: {  	[tilespmem:s26+$0x30] =	vst v6;
	v2 =	vmul.f32 $8.000000000e+00, v2  }
0x70: {  	[tilespmem:s26+$0x40] =	vst v0;
	v0 =	vmul.f32 $8.000000000e+00, v3  }
0x71: {  	s25 =	sadd.s32 s3, s25;
	[tilespmem:s26+$0x50] =	vst v2;
	v2 =	vmul.f32 $8.000000000e+00, v4  }
0x72: {  	s25 =	smul.u32 $0x640, s25;
	v1 =	vmul.f32 $8.000000000e+00, v1;
	[tilespmem:s26+$0x60] =	vst v0  }
0x73: {  	[tilespmem:s26+$0x70] =	vst v2  }
0x74: {  	p0 =	seq.s32 s22, $0x7;
	s25 =	sadd.s32 s2, s25;
	[tilespmem:s26+$0xFFFFFFF0] =	vst v1  }
0x75: {  	[hbm4b:s25+s4] =	stream.linear.scatter [tilespmem:s12], [sflag:$0x6], $0x3200, $0x38;
	[tilespmem:$0xE100] =	vst v63  }
0x76: {  	s25 =	simm.s32 @!p0 $0x5  }
0x77: {  	s26 =	smul.u32 @!p0 $0xC80, s22;
	_ =	swait.ge @!p0 [sflag:s25], $0x3200  }
0x78: {  	[sflag:s25] =	ssyncset.done @!p0 $0x0  }
0x79: {  	[sflag:s25] =	ssyncadd.s32 @!p0 $0xFFFFCE00;
	s25 =	sshra.s32 @!p0 s26, $0x2  }
0x7a: {  	s28 =	simm.s32 @!p0 $0xC8;
	s29 =	simm.s32 @!p0 $0x0;
	s26 =	sadd.s32 @!p0 $0xCB20, s25  }
0x7b: {  	[tilespmem:s29], [sflag:$0x1] =	stream.indirect.gather @!p0 [hbm4b:s5+s28], $0x40, s26, s28, $0xb8;
	[tilespmem:$0xE100] =	vst v63  }
0x7c: {  	_ =	swait.ge [sflag:s17], $0x3200  }
0x7d: {  	[sflag:s17] =	ssyncset.done $0x0  }
0x7e: {  	s26 =	simm.s32 $0x6480;
	[sflag:s17] =	ssyncadd.s32 $0xFFFFCE00  }
0x7f: {  	v0 =	vld [tilespmem:s26+$0xFFFFFF80]  }
0x80: {  	v1 =	vld [tilespmem:s26+$0xFFFFFF90]  }
0x81: {  	v2 =	vld [tilespmem:s26+$0xFFFFFFA0]  }
0x82: {  	v3 =	vld [tilespmem:s26+$0xFFFFFFB0]  }
0x83: {  	v4 =	vld [tilespmem:s26+$0xFFFFFFC0]  }
0x84: {  	v5 =	vld [tilespmem:s26+$0xFFFFFFD0];
	v0 =	vmul.f32 $8.000000000e+00, v0  }
0x85: {  	v6 =	vld [tilespmem:s26+$0xFFFFFFE0];
	v1 =	vmul.f32 $8.000000000e+00, v1  }
0x86: {  	[tilespmem:s26+$0xFFFFFF80] =	vst v0;
	v0 =	vmul.f32 $8.000000000e+00, v2;
	v2 =	vld [tilespmem:s26+$0x0]  }
0x87: {  	[tilespmem:s26+$0xFFFFFF90] =	vst v1;
	v1 =	vmul.f32 $8.000000000e+00, v3;
	v3 =	vld [tilespmem:s26+$0x10]  }
0x88: {  	[tilespmem:s26+$0xFFFFFFA0] =	vst v0;
	v0 =	vmul.f32 $8.000000000e+00, v4;
	v4 =	vld [tilespmem:s26+$0x20]  }
0x89: {  	v7 =	vld [tilespmem:s26+$0x30];
	[tilespmem:s26+$0xFFFFFFB0] =	vst v1;
	v1 =	vmul.f32 $8.000000000e+00, v5  }
0x8a: {  	v5 =	vmul.f32 $8.000000000e+00, v6;
	[tilespmem:s26+$0xFFFFFFC0] =	vst v0;
	v0 =	vld [tilespmem:s26+$0x40]  }
0x8b: {  	[tilespmem:s26+$0xFFFFFFD0] =	vst v1;
	v1 =	vmul.f32 $8.000000000e+00, v2;
	v2 =	vld [tilespmem:s26+$0x50]  }
0x8c: {  	[tilespmem:s26+$0xFFFFFFE0] =	vst v5;
	v6 =	vmul.f32 $8.000000000e+00, v3;
	v3 =	vld [tilespmem:s26+$0x60]  }
0x8d: {  	[tilespmem:s26+$0x0] =	vst v1;
	v5 =	vmul.f32 $8.000000000e+00, v4;
	v4 =	vld [tilespmem:s26+$0x70]  }
0x8e: {  	s28 =	simm.s32 $0x0;
	s29 =	simm.s32 $0x6580;
	v1 =	vld [tilespmem:s26+$0xFFFFFFF0];
	[tilespmem:s26+$0x10] =	vst v6;
	v6 =	vmul.f32 $8.000000000e+00, v7  }
.LBB2_7:
0x8f: {  	v7 =	vld [tilespmem:s29+$0xFFFFFF80];
	[tilespmem:s26+$0x20] =	vst v5;
	v0 =	vmul.f32 $8.000000000e+00, v0  }
0x90: {  	v5 =	vld [tilespmem:s29+$0xFFFFFF90];
	[tilespmem:s26+$0x30] =	vst v6;
	v2 =	vmul.f32 $8.000000000e+00, v2  }
0x91: {  	v6 =	vld [tilespmem:s29+$0xFFFFFFA0];
	[tilespmem:s26+$0x40] =	vst v0;
	v0 =	vmul.f32 $8.000000000e+00, v3  }
0x92: {  	v3 =	vld [tilespmem:s29+$0xFFFFFFB0];
	[tilespmem:s26+$0x50] =	vst v2;
	v2 =	vmul.f32 $8.000000000e+00, v4  }
0x93: {  	v4 =	vld [tilespmem:s29+$0xFFFFFFC0];
	v1 =	vmul.f32 $8.000000000e+00, v1;
	[tilespmem:s26+$0x60] =	vst v0  }
0x94: {  	v0 =	vmul.f32 $8.000000000e+00, v7;
	v7 =	vld [tilespmem:s29+$0xFFFFFFD0];
	[tilespmem:s26+$0x70] =	vst v2  }
0x95: {  	v2 =	vmul.f32 $8.000000000e+00, v5;
	v5 =	vld [tilespmem:s29+$0xFFFFFFE0];
	[tilespmem:s26+$0xFFFFFFF0] =	vst v1;
	s26 =	smov.u32 s29  }
0x96: {  	[tilespmem:s29+$0xFFFFFF80] =	vst v0;
	v0 =	vmul.f32 $8.000000000e+00, v6;
	v1 =	vld [tilespmem:s29+$0x0]  }
0x97: {  	[tilespmem:s29+$0xFFFFFF90] =	vst v2;
	v2 =	vmul.f32 $8.000000000e+00, v3;
	v3 =	vld [tilespmem:s29+$0x10]  }
0x98: {  	s28 =	sadd.s32 $0x4, s28;
	[tilespmem:s29+$0xFFFFFFA0] =	vst v0;
	v0 =	vmul.f32 $8.000000000e+00, v4;
	v4 =	vld [tilespmem:s29+$0x20]  }
0x99: {  	p1 =	slt.u32 s28, $0xC4;
	[tilespmem:s29+$0xFFFFFFB0] =	vst v2;
	v2 =	vmul.f32 $8.000000000e+00, v7;
	v6 =	vld [tilespmem:s29+$0x30]  }
.Ltmp2:
0x9a: {  	[tilespmem:s29+$0xFFFFFFC0] =	vst v0;
	v5 =	vmul.f32 $8.000000000e+00, v5;
	v0 =	vld [tilespmem:s29+$0x40];
	(pc) =	sbr.rel @p1 .LBB2_7-.Ltmp2, $4  }
0x9b: {  	[tilespmem:s29+$0xFFFFFFD0] =	vst v2;
	v1 =	vmul.f32 $8.000000000e+00, v1;
	v2 =	vld [tilespmem:s29+$0x50]  }
0x9c: {  	[tilespmem:s29+$0xFFFFFFE0] =	vst v5;
	v7 =	vmul.f32 $8.000000000e+00, v3;
	v3 =	vld [tilespmem:s29+$0x60]  }
0x9d: {  	[tilespmem:s29+$0x0] =	vst v1;
	v5 =	vmul.f32 $8.000000000e+00, v4;
	v4 =	vld [tilespmem:s29+$0x70]  }
0x9e: {  	s29 =	sadd.s32 $0x100, s29;
	v1 =	vld [tilespmem:s26+$0xFFFFFFF0];
	[tilespmem:s26+$0x10] =	vst v7;
	v6 =	vmul.f32 $8.000000000e+00, v6  }
0x9f: {  	[tilespmem:s26+$0x20] =	vst v5;
	v0 =	vmul.f32 $8.000000000e+00, v0  }
0xa0: {  	[tilespmem:s26+$0x30] =	vst v6;
	v2 =	vmul.f32 $8.000000000e+00, v2  }
0xa1: {  	[tilespmem:s26+$0x40] =	vst v0;
	v0 =	vmul.f32 $8.000000000e+00, v3  }
0xa2: {  	s23 =	sadd.s32 s3, s23;
	[tilespmem:s26+$0x50] =	vst v2;
	v2 =	vmul.f32 $8.000000000e+00, v4  }
0xa3: {  	s23 =	smul.u32 $0x640, s23;
	v1 =	vmul.f32 $8.000000000e+00, v1;
	[tilespmem:s26+$0x60] =	vst v0  }
0xa4: {  	[tilespmem:s26+$0x70] =	vst v2  }
0xa5: {  	s23 =	sadd.s32 s2, s23;
	[tilespmem:s26+$0xFFFFFFF0] =	vst v1  }
0xa6: {  	[hbm4b:s23+s4] =	stream.linear.scatter [tilespmem:s13], [sflag:$0x7], $0x3200, $0x38;
	[tilespmem:$0xE100] =	vst v63  }
0xa7: {  	s23 =	simm.s32 @!p0 $0x6  }
0xa8: {  	_ =	swait.ge @!p0 [sflag:s23], $0x3200  }
0xa9: {  	s26 =	simm.s32 @!p0 $0x3200;
	[sflag:s23] =	ssyncset.done @!p0 $0x0  }
0xaa: {  	[sflag:s23] =	ssyncadd.s32 @!p0 $0xFFFFCE00;
	s23 =	sadd.s32 @!p0 $0xCBE8, s25;
	s25 =	simm.s32 @!p0 $0xC8  }
0xab: {  	[tilespmem:s26], [sflag:$0x2] =	stream.indirect.gather @!p0 [hbm4b:s5+s25], $0x40, s23, s25, $0xb8;
	[tilespmem:$0xE100] =	vst v63  }
0xac: {  	_ =	swait.ge [sflag:s18], $0x3200  }
0xad: {  	[sflag:s18] =	ssyncset.done $0x0  }
0xae: {  	s23 =	simm.s32 $0x9680;
	[sflag:s18] =	ssyncadd.s32 $0xFFFFCE00  }
0xaf: {  	v0 =	vld [tilespmem:s23+$0xFFFFFF80]  }
0xb0: {  	v1 =	vld [tilespmem:s23+$0xFFFFFF90]  }
0xb1: {  	v2 =	vld [tilespmem:s23+$0xFFFFFFA0]  }
0xb2: {  	v3 =	vld [tilespmem:s23+$0xFFFFFFB0]  }
0xb3: {  	v4 =	vld [tilespmem:s23+$0xFFFFFFC0]  }
0xb4: {  	v5 =	vld [tilespmem:s23+$0xFFFFFFD0];
	v0 =	vmul.f32 $8.000000000e+00, v0  }
0xb5: {  	v6 =	vld [tilespmem:s23+$0xFFFFFFE0];
	v1 =	vmul.f32 $8.000000000e+00, v1  }
0xb6: {  	[tilespmem:s23+$0xFFFFFF80] =	vst v0;
	v0 =	vmul.f32 $8.000000000e+00, v2;
	v2 =	vld [tilespmem:s23+$0x0]  }
0xb7: {  	[tilespmem:s23+$0xFFFFFF90] =	vst v1;
	v1 =	vmul.f32 $8.000000000e+00, v3;
	v3 =	vld [tilespmem:s23+$0x10]  }
0xb8: {  	[tilespmem:s23+$0xFFFFFFA0] =	vst v0;
	v0 =	vmul.f32 $8.000000000e+00, v4;
	v4 =	vld [tilespmem:s23+$0x20]  }
0xb9: {  	v7 =	vld [tilespmem:s23+$0x30];
	[tilespmem:s23+$0xFFFFFFB0] =	vst v1;
	v1 =	vmul.f32 $8.000000000e+00, v5  }
0xba: {  	v5 =	vmul.f32 $8.000000000e+00, v6;
	[tilespmem:s23+$0xFFFFFFC0] =	vst v0;
	v0 =	vld [tilespmem:s23+$0x40]  }
0xbb: {  	[tilespmem:s23+$0xFFFFFFD0] =	vst v1;
	v1 =	vmul.f32 $8.000000000e+00, v2;
	v2 =	vld [tilespmem:s23+$0x50]  }
0xbc: {  	[tilespmem:s23+$0xFFFFFFE0] =	vst v5;
	v6 =	vmul.f32 $8.000000000e+00, v3;
	v3 =	vld [tilespmem:s23+$0x60]  }
0xbd: {  	[tilespmem:s23+$0x0] =	vst v1;
	v5 =	vmul.f32 $8.000000000e+00, v4;
	v4 =	vld [tilespmem:s23+$0x70]  }
0xbe: {  	s25 =	simm.s32 $0x0;
	s26 =	simm.s32 $0x9780;
	v1 =	vld [tilespmem:s23+$0xFFFFFFF0];
	[tilespmem:s23+$0x10] =	vst v6;
	v6 =	vmul.f32 $8.000000000e+00, v7  }
.LBB2_9:
0xbf: {  	v7 =	vld [tilespmem:s26+$0xFFFFFF80];
	[tilespmem:s23+$0x20] =	vst v5;
	v0 =	vmul.f32 $8.000000000e+00, v0  }
0xc0: {  	v5 =	vld [tilespmem:s26+$0xFFFFFF90];
	[tilespmem:s23+$0x30] =	vst v6;
	v2 =	vmul.f32 $8.000000000e+00, v2  }
0xc1: {  	v6 =	vld [tilespmem:s26+$0xFFFFFFA0];
	[tilespmem:s23+$0x40] =	vst v0;
	v0 =	vmul.f32 $8.000000000e+00, v3  }
0xc2: {  	v3 =	vld [tilespmem:s26+$0xFFFFFFB0];
	[tilespmem:s23+$0x50] =	vst v2;
	v2 =	vmul.f32 $8.000000000e+00, v4  }
0xc3: {  	v4 =	vld [tilespmem:s26+$0xFFFFFFC0];
	v1 =	vmul.f32 $8.000000000e+00, v1;
	[tilespmem:s23+$0x60] =	vst v0  }
0xc4: {  	v0 =	vmul.f32 $8.000000000e+00, v7;
	v7 =	vld [tilespmem:s26+$0xFFFFFFD0];
	[tilespmem:s23+$0x70] =	vst v2  }
0xc5: {  	v2 =	vmul.f32 $8.000000000e+00, v5;
	v5 =	vld [tilespmem:s26+$0xFFFFFFE0];
	[tilespmem:s23+$0xFFFFFFF0] =	vst v1;
	s23 =	smov.u32 s26  }
0xc6: {  	[tilespmem:s26+$0xFFFFFF80] =	vst v0;
	v0 =	vmul.f32 $8.000000000e+00, v6;
	v1 =	vld [tilespmem:s26+$0x0]  }
0xc7: {  	[tilespmem:s26+$0xFFFFFF90] =	vst v2;
	v2 =	vmul.f32 $8.000000000e+00, v3;
	v3 =	vld [tilespmem:s26+$0x10]  }
0xc8: {  	s25 =	sadd.s32 $0x4, s25;
	[tilespmem:s26+$0xFFFFFFA0] =	vst v0;
	v0 =	vmul.f32 $8.000000000e+00, v4;
	v4 =	vld [tilespmem:s26+$0x20]  }
0xc9: {  	p0 =	slt.u32 s25, $0xC4;
	[tilespmem:s26+$0xFFFFFFB0] =	vst v2;
	v2 =	vmul.f32 $8.000000000e+00, v7;
	v6 =	vld [tilespmem:s26+$0x30]  }
.Ltmp3:
0xca: {  	[tilespmem:s26+$0xFFFFFFC0] =	vst v0;
	v5 =	vmul.f32 $8.000000000e+00, v5;
	v0 =	vld [tilespmem:s26+$0x40];
	(pc) =	sbr.rel @p0 .LBB2_9-.Ltmp3, $4  }
0xcb: {  	[tilespmem:s26+$0xFFFFFFD0] =	vst v2;
	v1 =	vmul.f32 $8.000000000e+00, v1;
	v2 =	vld [tilespmem:s26+$0x50]  }
0xcc: {  	[tilespmem:s26+$0xFFFFFFE0] =	vst v5;
	v7 =	vmul.f32 $8.000000000e+00, v3;
	v3 =	vld [tilespmem:s26+$0x60]  }
0xcd: {  	[tilespmem:s26+$0x0] =	vst v1;
	v5 =	vmul.f32 $8.000000000e+00, v4;
	v4 =	vld [tilespmem:s26+$0x70]  }
0xce: {  	s26 =	sadd.s32 $0x100, s26;
	v1 =	vld [tilespmem:s23+$0xFFFFFFF0];
	[tilespmem:s23+$0x10] =	vst v7;
	v6 =	vmul.f32 $8.000000000e+00, v6  }
0xcf: {  	[tilespmem:s23+$0x20] =	vst v5;
	v0 =	vmul.f32 $8.000000000e+00, v0  }
0xd0: {  	s22 =	sadd.s32 $0x1, s22;
	[tilespmem:s23+$0x30] =	vst v6;
	v2 =	vmul.f32 $8.000000000e+00, v2  }
0xd1: {  	p0 =	sne.s32 s22, $0x8;
	[tilespmem:s23+$0x40] =	vst v0;
	v62 =	vmul.f32 $8.000000000e+00, v3  }
.Ltmp4:
0xd2: {  	s24 =	sadd.s32 s3, s24;
	[tilespmem:s23+$0x50] =	vst v2;
	v63 =	vmul.f32 $8.000000000e+00, v4;
	(pc) =	sbr.rel @p0 .LBB2_2-.Ltmp4, $4  }
0xd3: {  	s24 =	smul.u32 $0x640, s24;
	v1 =	vmul.f32 $8.000000000e+00, v1;
	[tilespmem:s23+$0x60] =	vst v62  }
0xd4: {  	[tilespmem:s23+$0x70] =	vst v63  }
0xd5: {  	s31 =	sadd.s32 s2, s24;
	[tilespmem:s23+$0xFFFFFFF0] =	vst v1  }
0xd6: {  	[hbm4b:s31+s4] =	stream.linear.scatter [tilespmem:s15], [sflag:$0x8], $0x3200, $0x38;
	[tilespmem:$0xE100] =	vst v63  }
0xd7: {  	s21 =	sadd.s32 $0x1, s21  }
0xd8: {  	_ =	swait.ge [sflag:s19], $0x3200;
	p0 =	sne.s32 s21, s7  }
.Ltmp5:
0xd9: {  	[sflag:s19] =	ssyncset.done $0x0;
	(pc) =	sbr.rel @p0 .LBB2_1-.Ltmp5, $4  }
0xda: {  	[sflag:s19] =	ssyncadd.s32 $0xFFFFCE00  }
0xdb: {  	_ =	swait.ge [sflag:s20], $0x3200  }
0xdc: {  	[sflag:s20] =	ssyncset.done $0x0  }
0xdd: {  	[sflag:s20] =	ssyncadd.s32 $0xFFFFCE00  }
0xde: {  	_ =	sfence.sel $0x180000  }
0xdf: {  	[bflag:$0x0] =	sbarrier.arrive $0xFFFF  }
0xe0: {  	p0 =	sne.s32 s0, $0x0;
	_ =	strace $0x90000047  }
0xe1: {  	s0 =	sadd.s32 @!p0 $0x100000, s1;
	[bflag:$0x2] =	sbarrier.arrive $0xFFFF  }
0xe2: {  	[sflag:s0] =	ssyncadd.tile.s32 @!p0 $0x1;
	_ =	shalt  }
.Lfunc_end2:
_tile_overlayer_lowered:
.L_overlay_start_2:
0xe3: {  	(tag) =	ssettag $0x2  }
0xe4: {  	s0 =	rddreg [dreg:$0x0];
	s2 =	stileid.u32  }
0xe5: {  	s1 =	rddreg [dreg:$0x1];
	p0 =	sne.s32 s2, $0x0  }
0xe6: {  	s3 =	rddreg [dreg:$0x2];
	[bflag:$0x3] =	sbarrier.arrive $0xFFFF;
	s2 =	simm.s32 @!p0 $0x1C09  }
0xe7: {  	[timem:s3], [sflag:s2] =	dma.local @!p0 [hbm:s0], s1  }
0xe8: {  	s0 =	simm.s32 @!p0 $0x9  }
0xe9: {  	_ =	swait.ge @!p0 [sflag:s0], s1  }
0xea: {  	s1 =	ssub.s32 @!p0 $0x0, s1;
	[sflag:s0] =	ssyncset.done @!p0 $0x0  }
0xeb: {  	[sflag:s0] =	ssyncadd.s32 @!p0 s1  }
0xec: {  	[bflag:$0x3] =	sbarrier.arrive $0xFFFF  }
0xed: {  	_ =	shalt  }

// kernel: sparse-core-data-format-call.cloned.1.call-start
scs
called_computation_lowered:
.L_overlay_start_0:
0x0: {  	s2 =	sld [smem:$0x3FD9]  }
0x1: {  	s3 =	sld [smem:$0x3FFE];
	_ =	sdelay $0x1  }
0x2: {  	s1 =	srdreg.scid  }
0x3: {  	s0 =	sand.u32 $0x1, s1  }
0x4: {  	s18 =	sshll.u32 s0, $0xA;
	s2 =	sadd.s32 s3, s2  }
0x5: {  	s2 =	sadd.s32 s2, s18  }
0x6: {  	[smem:$0x3FC6] =	sst s2  }
0x7: {  	_ = 	snop  }
0x8: {  	s2 =	sld [smem:$0x3FD0];
	(tm) =	ssettm $0x1  }
0x9: {  	s19 =	sld [smem:$0x3FFB];
	_ =	sdelay $0x3  }
0xa: {  	_ =	strace s19  }
0xb: {  	s3 =	sld [smem:$0x3FFC];
	_ =	sdelay $0x3  }
0xc: {  	_ =	strace s3  }
0xd: {  	s3 =	sld [smem:$0x3FFD];
	_ =	sdelay $0x3  }
0xe: {  	_ =	strace s3  }
0xf: {  	_ =	strace $0x8FFFFFFF  }
0x10: {  	s20 =	sld [smem:$0x3FDB];
	_ =	sdelay $0x1  }
0x11: {  	s4 =	simm.s32 $_scs_section_size  }
0x12: {  	s5 =	simm.s32 $_size__tile_overlayer_lowered;
	s6 =	simm.s32 $_tile_overlayer_lowered  }
0x13: {  	s23 =	simm.s32 $0x1BFF;
	s22 =	sshll.u32 s6, $0x1;
	s3 =	sadd.s32 s4, s20  }
0x14: {  	s7 =	simm.s32 $0x0;
	s21 =	sshll.u32 s5, $0x1;
	s5 =	sadd.s32 s22, s3  }
0x15: {  	[timem:s7], [sflag:s23] =	dma.local [hbm:s5], s21  }
0x16: {  	_ =	swait.ge [sflag:s23], s21  }
0x17: {  	s4 =	ssub.s32 $0x0, s21;
	[sflag:s23] =	ssyncset.done $0x0  }
0x18: {  	[sflag:s23] =	ssyncadd.s32 s4;
	_ =	sdelay $0x1  }
0x19: {  	s24 =	simm.s32 $0x1B8B  }
0x1a: {  	_ =	swait.ge [sflag:s24], $0x1  }
0x1b: {  	[sflag:s24] =	ssyncset.done $0x0  }
0x1c: {  	s26 =	simm.s32 $0x1B8E;
	s25 =	sld [smem:$0x3FFE];
	[sflag:s24] =	ssyncadd.s32 $0xFFFFFFFF  }
0x1d: {  	s27 =	simm.s32 $execute0_lowered;
	[smem:$0x3FD2] =	sst s26  }
0x1e: {  	s5 =	sshll.u32 s27, $0x1;
	_ =	strace $0x80000049;
	[dreg:$0x1] =	wrdreg $0xFFFFFFFF  }
0x1f: {  	s28 =	simm.s32 $_size_execute0_lowered;
	s3 =	sadd.s32 s3, s5;
	[dreg:$0x0] =	wrdreg $0x0  }
0x20: {  	s5 =	sshll.u32 s28, $0x1;
	[dreg:$0x2] =	wrdreg s3  }
0x21: {  	[dreg:$0x3] =	wrdreg s5  }
0x22: {  	[dreg:$0x4] =	wrdreg $0xC0  }
0x23: {  	_ =	task [dreg:s7], $0x5FFFF  }
0x24: {  	[dreg:$0x1] =	wrdreg $0xFFFFFFFF  }
0x25: {  	[dreg:$0x0] =	wrdreg $0x60  }
0x26: {  	[dreg:$0x2] =	wrdreg s25  }
0x27: {  	[dreg:$0x3] =	wrdreg s2  }
0x28: {  	[dreg:$0x4] =	wrdreg $0x9  }
0x29: {  	_ =	task.clear_ibuf [dreg:s7], $0x5FFFF;
	_ =	strace $0x90000049  }
0x2a: {  	s29 =	simm.s32 $0x9;
	_ =	strace $0x8000004B  }
0x2b: {  	_ =	swait.ge [sflag:s29], $0x1  }
0x2c: {  	[sflag:s29] =	ssyncadd.s32 $0xFFFFFFFF  }
0x2d: {  	_ =	strace $0x9000004B  }
0x2e: {  	_ =	sfence  }
0x2f: {  	s30 =	sld [smem:$0x0];
	_ =	sdelay $0x2  }
0x30: {  	s31 =	sshll.u32 s1, $0xD;
	s1 =	sshrl.u32 s1, $0x2  }
0x31: {  	s3 =	sand.u32 $0x4000, s31;
	s1 =	sadd.s32 s1, s30  }
0x32: {  	s0 =	sor.u32 s3, s0;
	s1 =	sshll.u32 s1, $0x11  }
0x33: {  	s0 =	sor.u32 s1, s0  }
0x34: {  	s0 =	sadd.s32 $0x8F2B, s0  }
0x35: {  	[sflag:s0] =	ssyncadd.remote.s32 $0x1  }
0x36: {  	_ =	sfence.sel $0xFFFF  }
0x37: {  	[dreg:$0x0] =	wrdreg $0xFFFFFFFF;
	(pc) =	sbr.abs _section_cstart, $3  }
0x38: {  	[dreg:$0x1] =	wrdreg $0xFFFFFFFF  }
0x39: {  	_ =	task.clear_ibuf [dreg:s7], $0x2FFFF;
	_ =	strace $0x9FFFFFFF  }
0x3a: {  	(tm) =	ssettm $0x7FFFFFFF  }
0x3b: {  	_ =	shalt  }
tec
execute0_lowered:
.L_overlay_start_1:
0x0: {  	(tag) =	ssettag $0x1  }
0x1: {  	s0 =	stileid.u32;
	s6 =	rddreg [dreg:$0x0]  }
0x2: {  	s2 =	rddreg [dreg:$0x1];
	s5 =	srdreg.scid  }
0x3: {  	s31 =	simm.s32 $0x2;
	s13 =	simm.s32 $0x0;
	s1 =	sshll.u32 s0, $0x7  }
0x4: {  	s14 =	simm.s32 $0x0;
	s12 =	simm.s32 $0x0;
	s3 =	sand.u32 $0x380, s1  }
0x5: {  	s5 =	sshll.u32 s5, $0x4;
	s6 =	sadd.s32 $0xA00, s6;
	s4 =	ssub.s32 $0x400, s3  }
0x6: {  	s1 =	rddreg [dreg:$0x2];
	_ =	strace $0x8000004A;
	s7 =	sand.u32 $0x380, s4  }
0x7: {  	s5 =	sand.u32 $0x10, s5;
	p0 =	sne.s32 s7, $0x0;
	s7 =	simm.s32 $0x1  }
.Ltmp0:
0x8: {  	s8 =	sshrl.u32 s4, $0xA;
	s7 =	simm.s32 @!p0 $0x0;
	(pc) =	sbr.rel .LBB1_1-.Ltmp0, $4  }
0x9: {  	s9 =	sor.u32 s0, s5;
	s4 =	simm.s32 $0x1;
	s30 =	sadd.s32 s7, s8  }
0xa: {  	s11 =	smov.u32 s3;
	[sflag:s4] =	ssyncpa.u1 $0x0;
	s5 =	smul.u32 $0x32, s30  }
0xb: {  	[sflag:s31] =	ssyncpa.u1 $0x0;
	p0 =	por $0x0, $0x0;
	s7 =	sshrl.u32 s9, $0x3  }
0xc: {  	s9 =	simm.s32 $0x2000;
	s10 =	smov.u32 s7;
	s8 =	sor.u32 $0x1, s5  }
.LBB1_4:
0xd: {  	s17 =	sand.u32 $0x1F80, s14;
	s13 =	sshll.u32 s13, $0xD  }
0xe: {  	[tilespmem:s16+$0x810 ss:$0x81] =	vst.msk $0xffff, v2;
	s18 =	sshrl.u32 s14, $0x3;
	s31 =	sand.u32 $0x7, s14;
	s17 =	sadd.s32 s2, s17  }
0xf: {  	[tilespmem:s16+$0x1020 ss:$0x81] =	vst.msk $0xffff, v0;
	s18 =	sand.u32 $0xF, s18;
	s14 =	sshll.u32 s31, $0x12;
	s13 =	sadd.s32 s13, s17  }
0x10: {  	[tilespmem:s16+$0x0 ss:$0x81] =	vst.msk $0xffff, v1;
	s14 =	sor.u32 $0x400, s14;
	s13 =	sadd.s32 s18, s13  }
0x11: {  	[hbm4b:s13+s14] =	stream.strided.scatter [tilespmem:s15], [sflag:$0x2], $0x2000, s9, s14, $0x20;
	[tilespmem:$0x8080] =	vst v63  }
.LBB1_5:
0x12: {  	s15 =	sadd.s32 $0x4, s10  }
0x13: {  	s13 =	sadd.s32 $0x400, s11;
	s17 =	smov.u32 s11;
	p2 =	sgt.s32 s15, $0xC7  }
0x14: {  	s17 =	smov.u32 @p2 s13  }
0x15: {  	s15 =	smov.u32 @p2 s7;
	p2 =	sgt.s32 s17, $0x3FF  }
0x16: {  	s17 =	smov.u32 @p2 s3;
	p2 =	sne.s32 s12, s8  }
.Ltmp1:
0x17: {  	p1 =	slt.u32 s12, $0x2;
	(pc) =	sbr.rel @!p2 .LBB1_6-.Ltmp1, $4  }
0x18: {  	s16 =	simm.s32 @!p1 $0x2  }
0x19: {  	s14 =	smov.u32 s11;
	p0 =	por !p0, !p0;
	_ =	swait.ge @!p1 [sflag:s16], $0x2000  }
0x1a: {  	s13 =	smov.u32 s10;
	[sflag:s16] =	ssyncset.done @!p1 $0x0;
	s10 =	smov.u32 s15  }
0x1b: {  	s12 =	sadd.s32 $0x1, s12;
	[sflag:s16] =	ssyncadd.s32 @!p1 $0xFFFFE000;
	s11 =	smov.u32 s17  }
.LBB1_1:
0x1c: {  	p1 =	sge.u32 s12, s5  }
0x1d: {  	s15 =	sand.u32 @!p1 $0x1FFFFFF, s10  }
0x1e: {  	s16 =	smulhi.u32 @!p1 $0x147AE15, s15;
	_ =	sdelay $0x1  }
0x1f: {  	s16 =	smul.u32 @!p1 $0xC8, s16  }
0x20: {  	s17 =	sxor.u32 @!p1 $0xFFFFFFFF, s12;
	s18 =	smul.u32 @!p1 $0xC80, s11  }
0x21: {  	s31 =	sadd.s32 $0xFFFFFFFF, s12;
	s17 =	sshll.u32 @!p1 s17, $0xD;
	s15 =	ssub.s32 @!p1 s15, s16  }
0x22: {  	s16 =	sand.u32 @!p1 $0x2000, s17;
	s17 =	sadd.s32 @!p1 s6, s18;
	s15 =	sshll.u32 @!p1 s15, $0x4  }
0x23: {  	s18 =	simm.s32 @!p1 $0x6400;
	s15 =	sadd.s32 @!p1 s15, s17;
	s17 =	simm.s32 @!p1 $0x40  }
0x24: {  	[tilespmem:s16], [sflag:$0x1] =	stream.strided.gather @!p1 [hbm4b:s15+s17], $0x2000, s18, s17, $0x38;
	[tilespmem:$0x8080] =	vst v63  }
0x25: {  	p1 =	sge.u32 s31, s5  }
.Ltmp2:
0x26: {  	_ = 	snop;
	(pc) =	sbr.rel @p1 .LBB1_5-.Ltmp2, $1  }
0x27: {  	_ =	sdelay $0x3  }
0x28: {  	s15 =	simm.s32 $0x1  }
0x29: {  	_ =	swait.ge [sflag:s4], $0x2000;
	s15 =	simm.s32 @!p0 $0x0  }
0x2a: {  	[sflag:s4] =	ssyncset.done $0x0;
	s16 =	sshll.u32 s15, $0xD  }
0x2b: {  	[sflag:s4] =	ssyncadd.s32 $0xFFFFE000;
	s19 =	sor.u32 $0x20, s16  }
0x2c: {  	s15 =	smul.u32 $0x8100, s15;
	v3 =	vld [tilespmem:s19+$0x10]  }
0x2d: {  	s30 =	sand.u32 $0x1, s12;
	v2 =	vld [tilespmem:s19+$0xFFFFFFF0]  }
0x2e: {  	s16 =	smul.u32 $0x8100, s30;
	s15 =	sshrl.u32 s15, $0x2;
	v0 =	vld [tilespmem:s19+$0x0]  }
0x2f: {  	v1 =	vld [tilespmem:s19+$0xFFFFFFE0];
	s17 =	sor.u32 $0x4000, s15  }
0x30: {  	s31 =	sshrl.u32 s16, $0x2;
	s16 =	sadd.s32 $0x0, s17  }
0x31: {  	s18 =	simm.s32 $0x4;
	s19 =	sadd.s32 $0x40, s19;
	s15 =	sor.u32 $0x4000, s31;
	[tilespmem:s16+$0x1830 ss:$0x81] =	vst.msk $0xffff, v3  }
.LBB1_3:
0x32: {  	v3 =	vld [tilespmem:s19+$0x10];
	p1 =	sne.s32 s18, $0x1FC;
	[tilespmem:s16+$0x810 ss:$0x81] =	vst.msk $0xffff, v2;
	s20 =	smov.u32 s18;
	s18 =	sadd.s32 $0x4, s18  }
.Ltmp3:
0x33: {  	v2 =	vld [tilespmem:s19+$0xFFFFFFF0];
	[tilespmem:s16+$0x1020 ss:$0x81] =	vst.msk $0xffff, v0;
	(pc) =	sbr.rel @p1 .LBB1_3-.Ltmp3, $4  }
0x34: {  	v0 =	vld [tilespmem:s19+$0x0];
	[tilespmem:s16+$0x0 ss:$0x81] =	vst.msk $0xffff, v1  }
0x35: {  	s16 =	sshra.s32 s20, $0x2;
	v1 =	vld [tilespmem:s19+$0xFFFFFFE0]  }
0x36: {  	s16 =	sadd.s32 s16, s17  }
0x37: {  	s19 =	sadd.s32 $0x40, s19;
	[tilespmem:s16+$0x1830 ss:$0x81] =	vst.msk $0xffff, v3  }
.Ltmp4:
0x38: {  	_ = 	snop;
	(pc) =	sbr.rel .LBB1_4-.Ltmp4, $1  }
0x39: {  	_ =	sdelay $0x3  }
.LBB1_6:
0x3a: {  	_ =	sfence.sel $0x180000  }
0x3b: {  	s2 =	simm.s32 $0x1;
	[bflag:$0x0] =	sbarrier.arrive $0xFFFF  }
0x3c: {  	s31 =	simm.s32 $0x2;
	[sflag:s2] =	ssyncpa.u1 $0x1  }
0x3d: {  	[sflag:s31] =	ssyncpa.u1 $0x1  }
0x3e: {  	p0 =	sne.s32 s0, $0x0;
	_ =	strace $0x9000004A  }
0x3f: {  	s0 =	sadd.s32 @!p0 $0x100000, s1;
	[bflag:$0x2] =	sbarrier.arrive $0xFFFF  }
0x40: {  	[sflag:s0] =	ssyncadd.tile.s32 @!p0 $0x1;
	_ =	shalt  }
.Lfunc_end1:
_tile_overlayer_lowered:
.L_overlay_start_2:
0x41: {  	(tag) =	ssettag $0x2  }
0x42: {  	s0 =	rddreg [dreg:$0x0];
	s2 =	stileid.u32  }
0x43: {  	s1 =	rddreg [dreg:$0x1];
	p0 =	sne.s32 s2, $0x0  }
0x44: {  	s3 =	rddreg [dreg:$0x2];
	[bflag:$0x3] =	sbarrier.arrive $0xFFFF;
	s2 =	simm.s32 @!p0 $0x1C01  }
0x45: {  	[timem:s3], [sflag:s2] =	dma.local @!p0 [hbm:s0], s1  }
0x46: {  	s0 =	simm.s32 @!p0 $0x1  }
0x47: {  	_ =	swait.ge @!p0 [sflag:s0], s1  }
0x48: {  	s1 =	ssub.s32 @!p0 $0x0, s1;
	[sflag:s0] =	ssyncset.done @!p0 $0x0  }
0x49: {  	[sflag:s0] =	ssyncadd.s32 @!p0 s1  }
0x4a: {  	[bflag:$0x3] =	sbarrier.arrive $0xFFFF  }
0x4b: {  	_ =	shalt  }

</sc_bundles>
